<compile_context>
chip_gen: v7x
topology: tpu7x:2x2x1
jax: 0.10.2.dev20260603
libtpu: 0.0.44.dev20260713+nightly
codegen_flags: <defaults>
</compile_context>

<pallas_src>
import functools

import jax
import jax.numpy as jnp
import numpy as np
from jax import lax
from jax.experimental import pallas as pl
from jax.experimental.pallas import tpu as pltpu
from jax.experimental.pallas import tpu_sc as plsc

N = 10000
E = 320000
H = 128
NF = 128
SHIFT = float(np.log(2.0))

NC = 2
NS = 16
NW = NC * NS
PER_W = E // NW
CHUNK = 80
NCH = PER_W // CHUNK
SUB = 2
LCHUNK = CHUNK * SUB
NFULL = 62
NPAD = 10240
ROWS_PER_TILE = NPAD // NS


def _sc_segment_sum(e, dst3, zeros):
    mesh = plsc.VectorSubcoreMesh(core_axis_name="c", subcore_axis_name="s")

    @functools.partial(
        pl.kernel,
        out_type=jax.ShapeDtypeStruct((NC, NPAD, H), jnp.float32),
        mesh=mesh,
        compiler_params=pltpu.CompilerParams(use_tc_tiling_on_sc=False),
        scratch_types=[
            pltpu.VMEM_SHARED((NPAD, H), jnp.float32),
            pltpu.VMEM((2, LCHUNK, H), jnp.float32),
            pltpu.VMEM((2, SUB, CHUNK), jnp.int32),
            pltpu.SemaphoreType.DMA((2,)),
            pltpu.SemaphoreType.DMA((2,)),
            pltpu.SemaphoreType.DMA((2,)),
        ],
    )
    def seg(e_hbm, dst_hbm, zero_hbm, out_hbm, acc, rows, idx, lsem, isem, ssem):
        cid = lax.axis_index("c")
        sid = lax.axis_index("s")
        w = cid * NS + sid
        ebase = w * PER_W

        def row_copy(j, slot):
            return pltpu.make_async_copy(
                e_hbm.at[pl.ds(ebase + j * LCHUNK, LCHUNK)], rows.at[slot],
                lsem.at[slot],
            )

        def idx_copy(j, slot):
            return pltpu.make_async_copy(
                dst_hbm.at[1, w, pl.ds(j * SUB, SUB)], idx.at[slot], isem.at[slot]
            )

        def tail_idx_copy():
            return pltpu.make_async_copy(
                dst_hbm.at[1, w, pl.ds(NFULL * SUB, 1)], idx.at[0, pl.ds(0, 1)],
                isem.at[0],
            )

        def scat_copy(k, slot):
            return pltpu.make_async_copy(
                rows.at[slot, pl.ds(k * CHUNK, CHUNK)],
                acc.at[idx.at[slot, k]], ssem.at[slot],
            )

        row_copy(0, 0).start()
        idx_copy(0, 0).start()
        pltpu.sync_copy(zero_hbm, acc.at[pl.ds(sid * ROWS_PER_TILE, ROWS_PER_TILE)])
        plsc.subcore_barrier()

        def body(j, carry):
            slot = lax.rem(j, 2)
            row_copy(j, slot).wait()
            idx_copy(j, slot).wait()
            for k in range(SUB):
                scat_copy(k, slot).start(add=True)

            @pl.when(j >= 1)
            def _():
                for k in range(SUB):
                    scat_copy(k, 1 - slot).wait()

            @pl.when(j + 1 < NFULL)
            def _():
                row_copy(j + 1, 1 - slot).start()
                idx_copy(j + 1, 1 - slot).start()

            return carry

        lax.fori_loop(0, NFULL, body, 0)

        def tail_row_copy():
            return pltpu.make_async_copy(
                e_hbm.at[pl.ds(ebase + NFULL * LCHUNK, CHUNK)],
                rows.at[0, pl.ds(0, CHUNK)], lsem.at[0],
            )

        tail_row_copy().start()
        tail_idx_copy().start()
        for k in range(SUB):
            scat_copy(k, 1).wait()
        tail_row_copy().wait()
        tail_idx_copy().wait()
        scat_copy(0, 0).start(add=True)
        scat_copy(0, 0).wait()
        plsc.subcore_barrier()

        r0 = sid * ROWS_PER_TILE
        pltpu.sync_copy(
            acc.at[pl.ds(r0, ROWS_PER_TILE)], out_hbm.at[cid, pl.ds(r0, ROWS_PER_TILE)]
        )

    return seg(e, dst3, zeros)


BLK = 2000


def _tc_body(p_ref, v_ref, w1_ref, b1_ref, w2_ref, b2_ref, lnw_ref, lnb_ref, out_ref):
    x = p_ref[0] + p_ref[1]
    h = jnp.dot(x, w1_ref[...], preferred_element_type=jnp.float32) + b1_ref[...]
    s = jnp.maximum(h, 0.0) + jnp.log1p(jnp.exp(-jnp.abs(h))) - SHIFT
    y = jnp.dot(s, w2_ref[...], preferred_element_type=jnp.float32) + b2_ref[...]
    mu = jnp.mean(y, axis=-1, keepdims=True)
    yc = y - mu
    var = jnp.mean(yc * yc, axis=-1, keepdims=True)
    out_ref[...] = v_ref[...] + yc * lax.rsqrt(var + 1e-5) * lnw_ref[...] + lnb_ref[...]


def _tc_mlp(partials, v, W1, b1, W2, b2, lnw, lnb):
    return pl.pallas_call(
        _tc_body,
        grid=(N // BLK,),
        in_specs=[
            pl.BlockSpec((NC, BLK, H), lambda i: (0, i, 0)),
            pl.BlockSpec((BLK, H), lambda i: (i, 0)),
            pl.BlockSpec((H, H), lambda i: (0, 0)),
            pl.BlockSpec((1, H), lambda i: (0, 0)),
            pl.BlockSpec((H, H), lambda i: (0, 0)),
            pl.BlockSpec((1, H), lambda i: (0, 0)),
            pl.BlockSpec((1, H), lambda i: (0, 0)),
            pl.BlockSpec((1, H), lambda i: (0, 0)),
        ],
        out_specs=pl.BlockSpec((BLK, H), lambda i: (i, 0)),
        out_shape=jax.ShapeDtypeStruct((N, H), jnp.float32),
    )(partials, v, W1, b1, W2, b2, lnw, lnb)


def kernel(v, e, edge_index, v1_size, W1_1, b1_1, W1_2, b1_2, ln_w, ln_b):
    del v1_size
    dst = edge_index.reshape(2, NW, NCH, CHUNK)
    zeros = jnp.zeros((ROWS_PER_TILE, H), jnp.float32)
    partials = _sc_segment_sum(e, dst, zeros)
    return _tc_mlp(
        partials, v, W1_1, b1_1.reshape(1, H), W1_2, b1_2.reshape(1, H),
        ln_w.reshape(1, H), ln_b.reshape(1, H),
    )

# --- scband reference (transcript-rebuilt; emitter-appended) ---
"""Pipeline reference for scband-update-v-20134806683673 (READ-ONLY COPY).

The authoritative reference and input builder live on the scoring server;
editing this copy changes nothing except your own understanding.
"""

import jax, jax.numpy as jnp
import numpy as np

N = 10000
E = 320000
H = 128
NF = 128
V1 = 5000
SHIFT = float(np.log(2.0))


def _xavier(key, fan_in, fan_out):
    limit = float(np.sqrt(6.0 / (fan_in + fan_out)))
    return jax.random.uniform(key, (fan_in, fan_out), dtype=jnp.float32, minval=-limit, maxval=limit)


def setup_inputs(seed: int = 0):
    key = jax.random.key(seed)
    ks = jax.random.split(key, 8)
    v = jax.random.normal(ks[0], (N, H), dtype=jnp.float32)
    e = jax.random.normal(ks[1], (E, NF), dtype=jnp.float32)
    edge_index = jax.random.randint(ks[2], (2, E), 0, N, dtype=jnp.int32)
    W1_1 = _xavier(ks[3], NF, H)
    b1_1 = jnp.zeros((H,), dtype=jnp.float32)
    W1_2 = _xavier(ks[4], H, H)
    b1_2 = jnp.zeros((H,), dtype=jnp.float32)
    ln_w = jnp.ones((H,), dtype=jnp.float32)
    ln_b = jnp.zeros((H,), dtype=jnp.float32)
    return {"v": v, "e": e, "edge_index": edge_index, "v1_size": V1,
            "W1_1": W1_1, "b1_1": b1_1, "W1_2": W1_2, "b1_2": b1_2,
            "ln_w": ln_w, "ln_b": ln_b}


def _ssp(x):
    return jax.nn.softplus(x) - SHIFT


def _layer_norm(x, w, b, eps=1e-5):
    mu = jnp.mean(x, axis=-1, keepdims=True)
    var = jnp.var(x, axis=-1, keepdims=True)
    return (x - mu) / jnp.sqrt(var + eps) * w + b


def reference(v, e, edge_index, v1_size, W1_1, b1_1, W1_2, b1_2, ln_w, ln_b):
    i = edge_index[1]
    out = jax.ops.segment_sum(e, i, num_segments=v.shape[0])
    out1 = jax.lax.dynamic_slice_in_dim(out, 0, V1, axis=0)
    out1 = out1 @ W1_1 + b1_1
    out1 = _ssp(out1)
    out1 = out1 @ W1_2 + b1_2
    out2 = jax.lax.dynamic_slice_in_dim(out, v1_size, out.shape[0] - V1, axis=0)
    out2 = out2 @ W1_1 + b1_1
    out2 = _ssp(out2)
    out2 = out2 @ W1_2 + b1_2
    outc = jnp.concatenate([out1, out2], axis=0)
    outc = _layer_norm(outc, ln_w, ln_b)
    return v + outc

if __name__ == "__main__":
    import jax
    _d = setup_inputs()
    print(jax.jit(kernel)(*tuple(_d.values())))

</pallas_src>

<mosaic_0001>
#map = affine_map<(d0, d1) -> (0, 0)>
#map1 = affine_map<(d0, d1) -> (0, 0, 0, 0)>
#map2 = affine_map<(d0, d1) -> (0, 0, 0)>
module attributes {stable_mosaic.version = 14 : i64} {
  func.func @seg(%arg0: i32, %arg1: i32, %arg2: memref<320000x128xf32, #tpu.memory_space<hbm>>, %arg3: memref<2x32x125x80xi32, #tpu.memory_space<hbm>>, %arg4: memref<640x128xf32, #tpu.memory_space<hbm>>, %arg5: memref<2x10240x128xf32, #tpu.memory_space<hbm>>, %arg6: memref<10240x128xf32, #tpu.memory_space<vmem_shared>>, %arg7: memref<2x160x128xf32, #tpu.memory_space<vmem>>, %arg8: memref<2x2x80xi32, #tpu.memory_space<vmem>>, %arg9: memref<2x!tpu.dma_semaphore, #tpu.memory_space<semaphore_mem>>, %arg10: memref<2x!tpu.dma_semaphore, #tpu.memory_space<semaphore_mem>>, %arg11: memref<2x!tpu.dma_semaphore, #tpu.memory_space<semaphore_mem>>) attributes {dimension_semantics = [#tpu.dimension_semantics<core_parallel>, #tpu.dimension_semantics<subcore_parallel>], iteration_bounds = array<i64: 2, 16>, scalar_prefetch = 0 : i64, scratch_operands = 6 : i64, tpu.core_type = #tpu.core_type<sc_vector_subcore>, window_params = [{transform_indices = #map}, {transform_indices = #map1}, {transform_indices = #map}, {transform_indices = #map2}]} {
    %mul3A = arith.constant 16 : i32
    %mul3A_0 = arith.muli %arg0, %mul3A : i32
    %add3A = arith.addi %mul3A_0, %arg1 : i32
    %mul3A_1 = arith.constant 10000 : i32
    %mul3A_2 = arith.muli %add3A, %mul3A_1 : i32
    %add3A_3 = arith.constant 0 : i32
    %add3A_4 = arith.addi %mul3A_2, %add3A_3 : i32
    %dma_start3A = arith.constant 0 : i32
    %dma_start3A_5 = arith.constant 0 : i32
    %dma_start3A_6 = arith.constant 0 : i32
    %dma_start3A_7 = arith.constant 0 : i32
    %dma_start3A_8 = tpu.memref_slice %arg7[%dma_start3A, %dma_start3A_6, %dma_start3A_7] : memref<2x160x128xf32, #tpu.memory_space<vmem>> -> memref<1x160x128xf32, #tpu.memory_space<vmem>>
    %dma_start3A_9 = tpu.memref_squeeze %dma_start3A_8 : memref<1x160x128xf32, #tpu.memory_space<vmem>> -> memref<160x128xf32, #tpu.memory_space<vmem>>
    %dma_start3A_10 = arith.constant 0 : i32
    %dma_start3A_11 = tpu.memref_slice %arg2[%add3A_4, %dma_start3A_10] : memref<320000x128xf32, #tpu.memory_space<hbm>> -> memref<160x128xf32, #tpu.memory_space<hbm>>
    %dma_start3A_12 = tpu.memref_slice %arg9[%dma_start3A_5] : memref<2x!tpu.dma_semaphore, #tpu.memory_space<semaphore_mem>> -> memref<1x!tpu.dma_semaphore, #tpu.memory_space<semaphore_mem>>
    %dma_start3A_13 = tpu.memref_squeeze %dma_start3A_12 : memref<1x!tpu.dma_semaphore, #tpu.memory_space<semaphore_mem>> -> memref<!tpu.dma_semaphore, #tpu.memory_space<semaphore_mem>>
    %dma_start3A_14 = arith.constant 0 : i32
    %dma_start3A_15 = arith.constant 0 : i32
    %dma_start3A_16 = tpu.memref_slice %arg7[%dma_start3A, %dma_start3A_14, %dma_start3A_15] : memref<2x160x128xf32, #tpu.memory_space<vmem>> -> memref<1x160x128xf32, #tpu.memory_space<vmem>>
    %dma_start3A_17 = tpu.memref_squeeze %dma_start3A_16 : memref<1x160x128xf32, #tpu.memory_space<vmem>> -> memref<160x128xf32, #tpu.memory_space<vmem>>
    %dma_start3A_18 = arith.constant 0 : i32
    %dma_start3A_19 = tpu.memref_slice %arg2[%add3A_4, %dma_start3A_18] : memref<320000x128xf32, #tpu.memory_space<hbm>> -> memref<160x128xf32, #tpu.memory_space<hbm>>
    tpu.enqueue_dma source(%dma_start3A_19 : memref<160x128xf32, #tpu.memory_space<hbm>>) target(%dma_start3A_17 : memref<160x128xf32, #tpu.memory_space<vmem>>) target_semaphore(%dma_start3A_13 : memref<!tpu.dma_semaphore, #tpu.memory_space<semaphore_mem>>)
    %dma_start3A_20 = arith.constant 1 : i32
    %dma_start3A_21 = arith.constant 0 : i32
    %dma_start3A_22 = arith.constant 0 : i32
    %dma_start3A_23 = arith.constant 0 : i32
    %dma_start3A_24 = arith.constant 0 : i32
    %dma_start3A_25 = tpu.memref_slice %arg8[%dma_start3A_21, %dma_start3A_23, %dma_start3A_24] : memref<2x2x80xi32, #tpu.memory_space<vmem>> -> memref<1x2x80xi32, #tpu.memory_space<vmem>>
    %dma_start3A_26 = tpu.memref_squeeze %dma_start3A_25 : memref<1x2x80xi32, #tpu.memory_space<vmem>> -> memref<2x80xi32, #tpu.memory_space<vmem>>
    %dma_start3A_27 = arith.constant 0 : i32
    %dma_start3A_28 = arith.constant 0 : i32
    %dma_start3A_29 = tpu.memref_slice %arg3[%dma_start3A_20, %add3A, %dma_start3A_27, %dma_start3A_28] : memref<2x32x125x80xi32, #tpu.memory_space<hbm>> -> memref<1x1x2x80xi32, #tpu.memory_space<hbm>>
    %dma_start3A_30 = tpu.memref_squeeze %dma_start3A_29 : memref<1x1x2x80xi32, #tpu.memory_space<hbm>> -> memref<2x80xi32, #tpu.memory_space<hbm>>
    %dma_start3A_31 = tpu.memref_slice %arg10[%dma_start3A_22] : memref<2x!tpu.dma_semaphore, #tpu.memory_space<semaphore_mem>> -> memref<1x!tpu.dma_semaphore, #tpu.memory_space<semaphore_mem>>
    %dma_start3A_32 = tpu.memref_squeeze %dma_start3A_31 : memref<1x!tpu.dma_semaphore, #tpu.memory_space<semaphore_mem>> -> memref<!tpu.dma_semaphore, #tpu.memory_space<semaphore_mem>>
    %dma_start3A_33 = arith.constant 0 : i32
    %dma_start3A_34 = arith.constant 0 : i32
    %dma_start3A_35 = tpu.memref_slice %arg8[%dma_start3A_21, %dma_start3A_33, %dma_start3A_34] : memref<2x2x80xi32, #tpu.memory_space<vmem>> -> memref<1x2x80xi32, #tpu.memory_space<vmem>>
    %dma_start3A_36 = tpu.memref_squeeze %dma_start3A_35 : memref<1x2x80xi32, #tpu.memory_space<vmem>> -> memref<2x80xi32, #tpu.memory_space<vmem>>
    %dma_start3A_37 = arith.constant 0 : i32
    %dma_start3A_38 = arith.constant 0 : i32
    %dma_start3A_39 = tpu.memref_slice %arg3[%dma_start3A_20, %add3A, %dma_start3A_37, %dma_start3A_38] : memref<2x32x125x80xi32, #tpu.memory_space<hbm>> -> memref<1x1x2x80xi32, #tpu.memory_space<hbm>>
    %dma_start3A_40 = tpu.memref_squeeze %dma_start3A_39 : memref<1x1x2x80xi32, #tpu.memory_space<hbm>> -> memref<2x80xi32, #tpu.memory_space<hbm>>
    tpu.enqueue_dma source(%dma_start3A_40 : memref<2x80xi32, #tpu.memory_space<hbm>>) target(%dma_start3A_36 : memref<2x80xi32, #tpu.memory_space<vmem>>) target_semaphore(%dma_start3A_32 : memref<!tpu.dma_semaphore, #tpu.memory_space<semaphore_mem>>)
    %mul3A_41 = arith.constant 640 : i32
    %mul3A_42 = arith.muli %arg1, %mul3A_41 : i32
    "tpu.region"() ({
      %run_scoped3A = tpu.sem_alloc : memref<!tpu.dma_semaphore, #tpu.memory_space<semaphore_mem>>
      %dma_start3A_192 = arith.constant 0 : i32
      %dma_start3A_193 = tpu.memref_slice %arg6[%mul3A_42, %dma_start3A_192] : memref<10240x128xf32, #tpu.memory_space<vmem_shared>> -> memref<640x128xf32, #tpu.memory_space<vmem_shared>>
      tpu.enqueue_dma source(%arg4 : memref<640x128xf32, #tpu.memory_space<hbm>>) target(%dma_start3A_193 : memref<640x128xf32, #tpu.memory_space<vmem_shared>>) target_semaphore(%run_scoped3A : memref<!tpu.dma_semaphore, #tpu.memory_space<semaphore_mem>>)
      %dma_wait3A_194 = arith.constant 0 : i32
      %dma_wait3A_195 = tpu.memref_slice %arg6[%mul3A_42, %dma_wait3A_194] : memref<10240x128xf32, #tpu.memory_space<vmem_shared>> -> memref<640x128xf32, #tpu.memory_space<vmem_shared>>
      tpu.wait_dma2 semaphore(%run_scoped3A : memref<!tpu.dma_semaphore, #tpu.memory_space<semaphore_mem>>) src(%arg4 : memref<640x128xf32, #tpu.memory_space<hbm>>) dst(%dma_wait3A_195 : memref<640x128xf32, #tpu.memory_space<vmem_shared>>)
      tpu.yield
    }) : () -> ()
    %barrier3A = arith.constant 0 : index
    tpu.barrier barrier_id(%barrier3A)
    %scan3A = arith.constant 0 : i32
    %scan3A_43 = arith.constant 0 : i32
    %scan3A_44 = arith.constant 62 : i32
    %scan3A_45 = arith.addi %scan3A_43, %scan3A_44 : i32
    %scan3A_46 = arith.constant 1 : i32
    scf.for %scan3A_192 = %scan3A_43 to %scan3A_45 step %scan3A_46  : i32 {
      %rem3A = arith.constant 2 : i32
      %rem3A_193 = arith.remsi %scan3A_192, %rem3A : i32
      %mul3A_194 = arith.constant 160 : i32
      %mul3A_195 = arith.muli %scan3A_192, %mul3A_194 : i32
      %add3A_196 = arith.addi %mul3A_2, %mul3A_195 : i32
      %dma_wait3A_197 = arith.constant 0 : i32
      %dma_wait3A_198 = arith.constant 0 : i32
      %dma_wait3A_199 = tpu.memref_slice %arg7[%rem3A_193, %dma_wait3A_197, %dma_wait3A_198] : memref<2x160x128xf32, #tpu.memory_space<vmem>> -> memref<1x160x128xf32, #tpu.memory_space<vmem>>
      %dma_wait3A_200 = tpu.memref_squeeze %dma_wait3A_199 : memref<1x160x128xf32, #tpu.memory_space<vmem>> -> memref<160x128xf32, #tpu.memory_space<vmem>>
      %dma_wait3A_201 = arith.constant 0 : i32
      %dma_wait3A_202 = tpu.memref_slice %arg2[%add3A_196, %dma_wait3A_201] : memref<320000x128xf32, #tpu.memory_space<hbm>> -> memref<160x128xf32, #tpu.memory_space<hbm>>
      %dma_wait3A_203 = tpu.memref_slice %arg9[%rem3A_193] : memref<2x!tpu.dma_semaphore, #tpu.memory_space<semaphore_mem>> -> memref<1x!tpu.dma_semaphore, #tpu.memory_space<semaphore_mem>>
      %dma_wait3A_204 = tpu.memref_squeeze %dma_wait3A_203 : memref<1x!tpu.dma_semaphore, #tpu.memory_space<semaphore_mem>> -> memref<!tpu.dma_semaphore, #tpu.memory_space<semaphore_mem>>
      %dma_wait3A_205 = arith.constant 0 : i32
      %dma_wait3A_206 = arith.constant 0 : i32
      %dma_wait3A_207 = tpu.memref_slice %arg7[%rem3A_193, %dma_wait3A_205, %dma_wait3A_206] : memref<2x160x128xf32, #tpu.memory_space<vmem>> -> memref<1x160x128xf32, #tpu.memory_space<vmem>>
      %dma_wait3A_208 = tpu.memref_squeeze %dma_wait3A_207 : memref<1x160x128xf32, #tpu.memory_space<vmem>> -> memref<160x128xf32, #tpu.memory_space<vmem>>
      %dma_wait3A_209 = arith.constant 0 : i32
      %dma_wait3A_210 = tpu.memref_slice %arg2[%add3A_196, %dma_wait3A_209] : memref<320000x128xf32, #tpu.memory_space<hbm>> -> memref<160x128xf32, #tpu.memory_space<hbm>>
      tpu.wait_dma2 semaphore(%dma_wait3A_204 : memref<!tpu.dma_semaphore, #tpu.memory_space<semaphore_mem>>) src(%dma_wait3A_210 : memref<160x128xf32, #tpu.memory_space<hbm>>) dst(%dma_wait3A_208 : memref<160x128xf32, #tpu.memory_space<vmem>>)
      %mul3A_211 = arith.constant 2 : i32
      %mul3A_212 = arith.muli %scan3A_192, %mul3A_211 : i32
      %dma_wait3A_213 = arith.constant 1 : i32
      %dma_wait3A_214 = arith.constant 0 : i32
      %dma_wait3A_215 = arith.constant 0 : i32
      %dma_wait3A_216 = tpu.memref_slice %arg8[%rem3A_193, %dma_wait3A_214, %dma_wait3A_215] : memref<2x2x80xi32, #tpu.memory_space<vmem>> -> memref<1x2x80xi32, #tpu.memory_space<vmem>>
      %dma_wait3A_217 = tpu.memref_squeeze %dma_wait3A_216 : memref<1x2x80xi32, #tpu.memory_space<vmem>> -> memref<2x80xi32, #tpu.memory_space<vmem>>
      %dma_wait3A_218 = arith.constant 0 : i32
      %dma_wait3A_219 = tpu.memref_slice %arg3[%dma_wait3A_213, %add3A, %mul3A_212, %dma_wait3A_218] : memref<2x32x125x80xi32, #tpu.memory_space<hbm>> -> memref<1x1x2x80xi32, #tpu.memory_space<hbm>>
      %dma_wait3A_220 = tpu.memref_squeeze %dma_wait3A_219 : memref<1x1x2x80xi32, #tpu.memory_space<hbm>> -> memref<2x80xi32, #tpu.memory_space<hbm>>
      %dma_wait3A_221 = tpu.memref_slice %arg10[%rem3A_193] : memref<2x!tpu.dma_semaphore, #tpu.memory_space<semaphore_mem>> -> memref<1x!tpu.dma_semaphore, #tpu.memory_space<semaphore_mem>>
      %dma_wait3A_222 = tpu.memref_squeeze %dma_wait3A_221 : memref<1x!tpu.dma_semaphore, #tpu.memory_space<semaphore_mem>> -> memref<!tpu.dma_semaphore, #tpu.memory_space<semaphore_mem>>
      %dma_wait3A_223 = arith.constant 0 : i32
      %dma_wait3A_224 = arith.constant 0 : i32
      %dma_wait3A_225 = tpu.memref_slice %arg8[%rem3A_193, %dma_wait3A_223, %dma_wait3A_224] : memref<2x2x80xi32, #tpu.memory_space<vmem>> -> memref<1x2x80xi32, #tpu.memory_space<vmem>>
      %dma_wait3A_226 = tpu.memref_squeeze %dma_wait3A_225 : memref<1x2x80xi32, #tpu.memory_space<vmem>> -> memref<2x80xi32, #tpu.memory_space<vmem>>
      %dma_wait3A_227 = arith.constant 0 : i32
      %dma_wait3A_228 = tpu.memref_slice %arg3[%dma_wait3A_213, %add3A, %mul3A_212, %dma_wait3A_227] : memref<2x32x125x80xi32, #tpu.memory_space<hbm>> -> memref<1x1x2x80xi32, #tpu.memory_space<hbm>>
      %dma_wait3A_229 = tpu.memref_squeeze %dma_wait3A_228 : memref<1x1x2x80xi32, #tpu.memory_space<hbm>> -> memref<2x80xi32, #tpu.memory_space<hbm>>
      tpu.wait_dma2 semaphore(%dma_wait3A_222 : memref<!tpu.dma_semaphore, #tpu.memory_space<semaphore_mem>>) src(%dma_wait3A_229 : memref<2x80xi32, #tpu.memory_space<hbm>>) dst(%dma_wait3A_226 : memref<2x80xi32, #tpu.memory_space<vmem>>)
      %dma_start3A_230 = arith.constant 0 : i32
      %dma_start3A_231 = arith.constant 0 : i32
      %dma_start3A_232 = arith.constant 0 : i32
      %dma_start3A_233 = tpu.memref_slice %arg7[%rem3A_193, %dma_start3A_231, %dma_start3A_232] : memref<2x160x128xf32, #tpu.memory_space<vmem>> -> memref<1x80x128xf32, #tpu.memory_space<vmem>>
      %dma_start3A_234 = tpu.memref_squeeze %dma_start3A_233 : memref<1x80x128xf32, #tpu.memory_space<vmem>> -> memref<80x128xf32, #tpu.memory_space<vmem>>
      %dma_start3A_235 = arith.constant 0 : i32
      %dma_start3A_236 = tpu.memref_slice %arg8[%rem3A_193, %dma_start3A_230, %dma_start3A_235] : memref<2x2x80xi32, #tpu.memory_space<vmem>> -> memref<1x1x80xi32, #tpu.memory_space<vmem>>
      %dma_start3A_237 = tpu.memref_squeeze %dma_start3A_236 : memref<1x1x80xi32, #tpu.memory_space<vmem>> -> memref<80xi32, #tpu.memory_space<vmem>>
      %dma_start3A_238 = arith.constant 0 : i32
      %dma_start3A_239 = arith.constant 0 : i32
      %dma_start3A_240 = tpu.memref_slice %arg6[%dma_start3A_238, %dma_start3A_239] : memref<10240x128xf32, #tpu.memory_space<vmem_shared>> -> memref<10240x128xf32, #tpu.memory_space<vmem_shared>>
      %dma_start3A_241 = tpu.memref_slice %arg11[%rem3A_193] : memref<2x!tpu.dma_semaphore, #tpu.memory_space<semaphore_mem>> -> memref<1x!tpu.dma_semaphore, #tpu.memory_space<semaphore_mem>>
      %dma_start3A_242 = tpu.memref_squeeze %dma_start3A_241 : memref<1x!tpu.dma_semaphore, #tpu.memory_space<semaphore_mem>> -> memref<!tpu.dma_semaphore, #tpu.memory_space<semaphore_mem>>
      tpu.enqueue_indirect_dma source(%dma_start3A_234 : memref<80x128xf32, #tpu.memory_space<vmem>>) target(%dma_start3A_240 : memref<10240x128xf32, #tpu.memory_space<vmem_shared>>) offsets(%dma_start3A_237 : memref<80xi32, #tpu.memory_space<vmem>>) semaphore(%dma_start3A_242 : memref<!tpu.dma_semaphore, #tpu.memory_space<semaphore_mem>>) {add = true}
      %dma_start3A_243 = arith.constant 1 : i32
      %dma_start3A_244 = arith.constant 80 : i32
      %dma_start3A_245 = arith.constant 0 : i32
      %dma_start3A_246 = tpu.memref_slice %arg7[%rem3A_193, %dma_start3A_244, %dma_start3A_245] : memref<2x160x128xf32, #tpu.memory_space<vmem>> -> memref<1x80x128xf32, #tpu.memory_space<vmem>>
      %dma_start3A_247 = tpu.memref_squeeze %dma_start3A_246 : memref<1x80x128xf32, #tpu.memory_space<vmem>> -> memref<80x128xf32, #tpu.memory_space<vmem>>
      %dma_start3A_248 = arith.constant 0 : i32
      %dma_start3A_249 = tpu.memref_slice %arg8[%rem3A_193, %dma_start3A_243, %dma_start3A_248] : memref<2x2x80xi32, #tpu.memory_space<vmem>> -> memref<1x1x80xi32, #tpu.memory_space<vmem>>
      %dma_start3A_250 = tpu.memref_squeeze %dma_start3A_249 : memref<1x1x80xi32, #tpu.memory_space<vmem>> -> memref<80xi32, #tpu.memory_space<vmem>>
      %dma_start3A_251 = arith.constant 0 : i32
      %dma_start3A_252 = arith.constant 0 : i32
      %dma_start3A_253 = tpu.memref_slice %arg6[%dma_start3A_251, %dma_start3A_252] : memref<10240x128xf32, #tpu.memory_space<vmem_shared>> -> memref<10240x128xf32, #tpu.memory_space<vmem_shared>>
      %dma_start3A_254 = tpu.memref_slice %arg11[%rem3A_193] : memref<2x!tpu.dma_semaphore, #tpu.memory_space<semaphore_mem>> -> memref<1x!tpu.dma_semaphore, #tpu.memory_space<semaphore_mem>>
      %dma_start3A_255 = tpu.memref_squeeze %dma_start3A_254 : memref<1x!tpu.dma_semaphore, #tpu.memory_space<semaphore_mem>> -> memref<!tpu.dma_semaphore, #tpu.memory_space<semaphore_mem>>
      tpu.enqueue_indirect_dma source(%dma_start3A_247 : memref<80x128xf32, #tpu.memory_space<vmem>>) target(%dma_start3A_253 : memref<10240x128xf32, #tpu.memory_space<vmem_shared>>) offsets(%dma_start3A_250 : memref<80xi32, #tpu.memory_space<vmem>>) semaphore(%dma_start3A_255 : memref<!tpu.dma_semaphore, #tpu.memory_space<semaphore_mem>>) {add = true}
      %ge3A = arith.constant 1 : i32
      %ge3A_256 = arith.cmpi sge, %scan3A_192, %ge3A : i32
      %convert_element_type3A = arith.extui %ge3A_256 : i1 to i32
      %cond3A = arith.constant 0 : i32
      %cond3A_257 = arith.cmpi ne, %convert_element_type3A, %cond3A : i32
      scf.if %cond3A_257 {
        %sub3A = arith.constant 1 : i32
        %sub3A_264 = arith.subi %sub3A, %rem3A_193 : i32
        %dma_wait3A_265 = arith.constant 0 : i32
        %dma_wait3A_266 = arith.constant 0 : i32
        %dma_wait3A_267 = arith.constant 0 : i32
        %dma_wait3A_268 = tpu.memref_slice %arg7[%sub3A_264, %dma_wait3A_266, %dma_wait3A_267] : memref<2x160x128xf32, #tpu.memory_space<vmem>> -> memref<1x80x128xf32, #tpu.memory_space<vmem>>
        %dma_wait3A_269 = tpu.memref_squeeze %dma_wait3A_268 : memref<1x80x128xf32, #tpu.memory_space<vmem>> -> memref<80x128xf32, #tpu.memory_space<vmem>>
        %dma_wait3A_270 = arith.constant 0 : i32
        %dma_wait3A_271 = tpu.memref_slice %arg8[%sub3A_264, %dma_wait3A_265, %dma_wait3A_270] : memref<2x2x80xi32, #tpu.memory_space<vmem>> -> memref<1x1x80xi32, #tpu.memory_space<vmem>>
        %dma_wait3A_272 = tpu.memref_squeeze %dma_wait3A_271 : memref<1x1x80xi32, #tpu.memory_space<vmem>> -> memref<80xi32, #tpu.memory_space<vmem>>
        %dma_wait3A_273 = arith.constant 0 : i32
        %dma_wait3A_274 = arith.constant 0 : i32
        %dma_wait3A_275 = tpu.memref_slice %arg6[%dma_wait3A_273, %dma_wait3A_274] : memref<10240x128xf32, #tpu.memory_space<vmem_shared>> -> memref<10240x128xf32, #tpu.memory_space<vmem_shared>>
        %dma_wait3A_276 = tpu.memref_slice %arg11[%sub3A_264] : memref<2x!tpu.dma_semaphore, #tpu.memory_space<semaphore_mem>> -> memref<1x!tpu.dma_semaphore, #tpu.memory_space<semaphore_mem>>
        %dma_wait3A_277 = tpu.memref_squeeze %dma_wait3A_276 : memref<1x!tpu.dma_semaphore, #tpu.memory_space<semaphore_mem>> -> memref<!tpu.dma_semaphore, #tpu.memory_space<semaphore_mem>>
        tpu.wait_indirect_dma semaphore(%dma_wait3A_277 : memref<!tpu.dma_semaphore, #tpu.memory_space<semaphore_mem>>) src(%dma_wait3A_269 : memref<80x128xf32, #tpu.memory_space<vmem>>) dst(%dma_wait3A_275 : memref<10240x128xf32, #tpu.memory_space<vmem_shared>>)
        %sub3A_278 = arith.constant 1 : i32
        %sub3A_279 = arith.subi %sub3A_278, %rem3A_193 : i32
        %dma_wait3A_280 = arith.constant 1 : i32
        %dma_wait3A_281 = arith.constant 80 : i32
        %dma_wait3A_282 = arith.constant 0 : i32
        %dma_wait3A_283 = tpu.memref_slice %arg7[%sub3A_279, %dma_wait3A_281, %dma_wait3A_282] : memref<2x160x128xf32, #tpu.memory_space<vmem>> -> memref<1x80x128xf32, #tpu.memory_space<vmem>>
        %dma_wait3A_284 = tpu.memref_squeeze %dma_wait3A_283 : memref<1x80x128xf32, #tpu.memory_space<vmem>> -> memref<80x128xf32, #tpu.memory_space<vmem>>
        %dma_wait3A_285 = arith.constant 0 : i32
        %dma_wait3A_286 = tpu.memref_slice %arg8[%sub3A_279, %dma_wait3A_280, %dma_wait3A_285] : memref<2x2x80xi32, #tpu.memory_space<vmem>> -> memref<1x1x80xi32, #tpu.memory_space<vmem>>
        %dma_wait3A_287 = tpu.memref_squeeze %dma_wait3A_286 : memref<1x1x80xi32, #tpu.memory_space<vmem>> -> memref<80xi32, #tpu.memory_space<vmem>>
        %dma_wait3A_288 = arith.constant 0 : i32
        %dma_wait3A_289 = arith.constant 0 : i32
        %dma_wait3A_290 = tpu.memref_slice %arg6[%dma_wait3A_288, %dma_wait3A_289] : memref<10240x128xf32, #tpu.memory_space<vmem_shared>> -> memref<10240x128xf32, #tpu.memory_space<vmem_shared>>
        %dma_wait3A_291 = tpu.memref_slice %arg11[%sub3A_279] : memref<2x!tpu.dma_semaphore, #tpu.memory_space<semaphore_mem>> -> memref<1x!tpu.dma_semaphore, #tpu.memory_space<semaphore_mem>>
        %dma_wait3A_292 = tpu.memref_squeeze %dma_wait3A_291 : memref<1x!tpu.dma_semaphore, #tpu.memory_space<semaphore_mem>> -> memref<!tpu.dma_semaphore, #tpu.memory_space<semaphore_mem>>
        tpu.wait_indirect_dma semaphore(%dma_wait3A_292 : memref<!tpu.dma_semaphore, #tpu.memory_space<semaphore_mem>>) src(%dma_wait3A_284 : memref<80x128xf32, #tpu.memory_space<vmem>>) dst(%dma_wait3A_290 : memref<10240x128xf32, #tpu.memory_space<vmem_shared>>)
      } else {
      }
      %add3A_258 = arith.constant 1 : i32
      %add3A_259 = arith.addi %scan3A_192, %add3A_258 : i32
      %lt3A = arith.constant 62 : i32
      %lt3A_260 = arith.cmpi slt, %add3A_259, %lt3A : i32
      %convert_element_type3A_261 = arith.extui %lt3A_260 : i1 to i32
      %cond3A_262 = arith.constant 0 : i32
      %cond3A_263 = arith.cmpi ne, %convert_element_type3A_261, %cond3A_262 : i32
      scf.if %cond3A_263 {
        %add3A_264 = arith.constant 1 : i32
        %add3A_265 = arith.addi %scan3A_192, %add3A_264 : i32
        %sub3A = arith.constant 1 : i32
        %sub3A_266 = arith.subi %sub3A, %rem3A_193 : i32
        %mul3A_267 = arith.constant 160 : i32
        %mul3A_268 = arith.muli %add3A_265, %mul3A_267 : i32
        %add3A_269 = arith.addi %mul3A_2, %mul3A_268 : i32
        %dma_start3A_270 = arith.constant 0 : i32
        %dma_start3A_271 = arith.constant 0 : i32
        %dma_start3A_272 = tpu.memref_slice %arg7[%sub3A_266, %dma_start3A_270, %dma_start3A_271] : memref<2x160x128xf32, #tpu.memory_space<vmem>> -> memref<1x160x128xf32, #tpu.memory_space<vmem>>
        %dma_start3A_273 = tpu.memref_squeeze %dma_start3A_272 : memref<1x160x128xf32, #tpu.memory_space<vmem>> -> memref<160x128xf32, #tpu.memory_space<vmem>>
        %dma_start3A_274 = arith.constant 0 : i32
        %dma_start3A_275 = tpu.memref_slice %arg2[%add3A_269, %dma_start3A_274] : memref<320000x128xf32, #tpu.memory_space<hbm>> -> memref<160x128xf32, #tpu.memory_space<hbm>>
        %dma_start3A_276 = tpu.memref_slice %arg9[%sub3A_266] : memref<2x!tpu.dma_semaphore, #tpu.memory_space<semaphore_mem>> -> memref<1x!tpu.dma_semaphore, #tpu.memory_space<semaphore_mem>>
        %dma_start3A_277 = tpu.memref_squeeze %dma_start3A_276 : memref<1x!tpu.dma_semaphore, #tpu.memory_space<semaphore_mem>> -> memref<!tpu.dma_semaphore, #tpu.memory_space<semaphore_mem>>
        %dma_start3A_278 = arith.constant 0 : i32
        %dma_start3A_279 = arith.constant 0 : i32
        %dma_start3A_280 = tpu.memref_slice %arg7[%sub3A_266, %dma_start3A_278, %dma_start3A_279] : memref<2x160x128xf32, #tpu.memory_space<vmem>> -> memref<1x160x128xf32, #tpu.memory_space<vmem>>
        %dma_start3A_281 = tpu.memref_squeeze %dma_start3A_280 : memref<1x160x128xf32, #tpu.memory_space<vmem>> -> memref<160x128xf32, #tpu.memory_space<vmem>>
        %dma_start3A_282 = arith.constant 0 : i32
        %dma_start3A_283 = tpu.memref_slice %arg2[%add3A_269, %dma_start3A_282] : memref<320000x128xf32, #tpu.memory_space<hbm>> -> memref<160x128xf32, #tpu.memory_space<hbm>>
        tpu.enqueue_dma source(%dma_start3A_283 : memref<160x128xf32, #tpu.memory_space<hbm>>) target(%dma_start3A_281 : memref<160x128xf32, #tpu.memory_space<vmem>>) target_semaphore(%dma_start3A_277 : memref<!tpu.dma_semaphore, #tpu.memory_space<semaphore_mem>>)
        %add3A_284 = arith.constant 1 : i32
        %add3A_285 = arith.addi %scan3A_192, %add3A_284 : i32
        %sub3A_286 = arith.constant 1 : i32
        %sub3A_287 = arith.subi %sub3A_286, %rem3A_193 : i32
        %mul3A_288 = arith.constant 2 : i32
        %mul3A_289 = arith.muli %add3A_285, %mul3A_288 : i32
        %dma_start3A_290 = arith.constant 1 : i32
        %dma_start3A_291 = arith.constant 0 : i32
        %dma_start3A_292 = arith.constant 0 : i32
        %dma_start3A_293 = tpu.memref_slice %arg8[%sub3A_287, %dma_start3A_291, %dma_start3A_292] : memref<2x2x80xi32, #tpu.memory_space<vmem>> -> memref<1x2x80xi32, #tpu.memory_space<vmem>>
        %dma_start3A_294 = tpu.memref_squeeze %dma_start3A_293 : memref<1x2x80xi32, #tpu.memory_space<vmem>> -> memref<2x80xi32, #tpu.memory_space<vmem>>
        %dma_start3A_295 = arith.constant 0 : i32
        %dma_start3A_296 = tpu.memref_slice %arg3[%dma_start3A_290, %add3A, %mul3A_289, %dma_start3A_295] : memref<2x32x125x80xi32, #tpu.memory_space<hbm>> -> memref<1x1x2x80xi32, #tpu.memory_space<hbm>>
        %dma_start3A_297 = tpu.memref_squeeze %dma_start3A_296 : memref<1x1x2x80xi32, #tpu.memory_space<hbm>> -> memref<2x80xi32, #tpu.memory_space<hbm>>
        %dma_start3A_298 = tpu.memref_slice %arg10[%sub3A_287] : memref<2x!tpu.dma_semaphore, #tpu.memory_space<semaphore_mem>> -> memref<1x!tpu.dma_semaphore, #tpu.memory_space<semaphore_mem>>
        %dma_start3A_299 = tpu.memref_squeeze %dma_start3A_298 : memref<1x!tpu.dma_semaphore, #tpu.memory_space<semaphore_mem>> -> memref<!tpu.dma_semaphore, #tpu.memory_space<semaphore_mem>>
        %dma_start3A_300 = arith.constant 0 : i32
        %dma_start3A_301 = arith.constant 0 : i32
        %dma_start3A_302 = tpu.memref_slice %arg8[%sub3A_287, %dma_start3A_300, %dma_start3A_301] : memref<2x2x80xi32, #tpu.memory_space<vmem>> -> memref<1x2x80xi32, #tpu.memory_space<vmem>>
        %dma_start3A_303 = tpu.memref_squeeze %dma_start3A_302 : memref<1x2x80xi32, #tpu.memory_space<vmem>> -> memref<2x80xi32, #tpu.memory_space<vmem>>
        %dma_start3A_304 = arith.constant 0 : i32
        %dma_start3A_305 = tpu.memref_slice %arg3[%dma_start3A_290, %add3A, %mul3A_289, %dma_start3A_304] : memref<2x32x125x80xi32, #tpu.memory_space<hbm>> -> memref<1x1x2x80xi32, #tpu.memory_space<hbm>>
        %dma_start3A_306 = tpu.memref_squeeze %dma_start3A_305 : memref<1x1x2x80xi32, #tpu.memory_space<hbm>> -> memref<2x80xi32, #tpu.memory_space<hbm>>
        tpu.enqueue_dma source(%dma_start3A_306 : memref<2x80xi32, #tpu.memory_space<hbm>>) target(%dma_start3A_303 : memref<2x80xi32, #tpu.memory_space<vmem>>) target_semaphore(%dma_start3A_299 : memref<!tpu.dma_semaphore, #tpu.memory_space<semaphore_mem>>)
      } else {
      }
    }
    %scan3A_47 = arith.constant 62 : i32
    %add3A_48 = arith.constant 9920 : i32
    %add3A_49 = arith.addi %mul3A_2, %add3A_48 : i32
    %dma_start3A_50 = arith.constant 0 : i32
    %dma_start3A_51 = arith.constant 0 : i32
    %dma_start3A_52 = arith.constant 0 : i32
    %dma_start3A_53 = arith.constant 0 : i32
    %dma_start3A_54 = tpu.memref_slice %arg7[%dma_start3A_50, %dma_start3A_52, %dma_start3A_53] : memref<2x160x128xf32, #tpu.memory_space<vmem>> -> memref<1x80x128xf32, #tpu.memory_space<vmem>>
    %dma_start3A_55 = tpu.memref_squeeze %dma_start3A_54 : memref<1x80x128xf32, #tpu.memory_space<vmem>> -> memref<80x128xf32, #tpu.memory_space<vmem>>
    %dma_start3A_56 = arith.constant 0 : i32
    %dma_start3A_57 = tpu.memref_slice %arg2[%add3A_49, %dma_start3A_56] : memref<320000x128xf32, #tpu.memory_space<hbm>> -> memref<80x128xf32, #tpu.memory_space<hbm>>
    %dma_start3A_58 = tpu.memref_slice %arg9[%dma_start3A_51] : memref<2x!tpu.dma_semaphore, #tpu.memory_space<semaphore_mem>> -> memref<1x!tpu.dma_semaphore, #tpu.memory_space<semaphore_mem>>
    %dma_start3A_59 = tpu.memref_squeeze %dma_start3A_58 : memref<1x!tpu.dma_semaphore, #tpu.memory_space<semaphore_mem>> -> memref<!tpu.dma_semaphore, #tpu.memory_space<semaphore_mem>>
    %dma_start3A_60 = arith.constant 0 : i32
    %dma_start3A_61 = arith.constant 0 : i32
    %dma_start3A_62 = tpu.memref_slice %arg7[%dma_start3A_50, %dma_start3A_60, %dma_start3A_61] : memref<2x160x128xf32, #tpu.memory_space<vmem>> -> memref<1x80x128xf32, #tpu.memory_space<vmem>>
    %dma_start3A_63 = tpu.memref_squeeze %dma_start3A_62 : memref<1x80x128xf32, #tpu.memory_space<vmem>> -> memref<80x128xf32, #tpu.memory_space<vmem>>
    %dma_start3A_64 = arith.constant 0 : i32
    %dma_start3A_65 = tpu.memref_slice %arg2[%add3A_49, %dma_start3A_64] : memref<320000x128xf32, #tpu.memory_space<hbm>> -> memref<80x128xf32, #tpu.memory_space<hbm>>
    tpu.enqueue_dma source(%dma_start3A_65 : memref<80x128xf32, #tpu.memory_space<hbm>>) target(%dma_start3A_63 : memref<80x128xf32, #tpu.memory_space<vmem>>) target_semaphore(%dma_start3A_59 : memref<!tpu.dma_semaphore, #tpu.memory_space<semaphore_mem>>)
    %dma_start3A_66 = arith.constant 1 : i32
    %dma_start3A_67 = arith.constant 0 : i32
    %dma_start3A_68 = arith.constant 0 : i32
    %dma_start3A_69 = arith.constant 0 : i32
    %dma_start3A_70 = arith.constant 0 : i32
    %dma_start3A_71 = tpu.memref_slice %arg8[%dma_start3A_67, %dma_start3A_69, %dma_start3A_70] : memref<2x2x80xi32, #tpu.memory_space<vmem>> -> memref<1x1x80xi32, #tpu.memory_space<vmem>>
    %dma_start3A_72 = tpu.memref_squeeze %dma_start3A_71 : memref<1x1x80xi32, #tpu.memory_space<vmem>> -> memref<1x80xi32, #tpu.memory_space<vmem>>
    %dma_start3A_73 = arith.constant 124 : i32
    %dma_start3A_74 = arith.constant 0 : i32
    %dma_start3A_75 = tpu.memref_slice %arg3[%dma_start3A_66, %add3A, %dma_start3A_73, %dma_start3A_74] : memref<2x32x125x80xi32, #tpu.memory_space<hbm>> -> memref<1x1x1x80xi32, #tpu.memory_space<hbm>>
    %dma_start3A_76 = tpu.memref_squeeze %dma_start3A_75 : memref<1x1x1x80xi32, #tpu.memory_space<hbm>> -> memref<1x80xi32, #tpu.memory_space<hbm>>
    %dma_start3A_77 = tpu.memref_slice %arg10[%dma_start3A_68] : memref<2x!tpu.dma_semaphore, #tpu.memory_space<semaphore_mem>> -> memref<1x!tpu.dma_semaphore, #tpu.memory_space<semaphore_mem>>
    %dma_start3A_78 = tpu.memref_squeeze %dma_start3A_77 : memref<1x!tpu.dma_semaphore, #tpu.memory_space<semaphore_mem>> -> memref<!tpu.dma_semaphore, #tpu.memory_space<semaphore_mem>>
    %dma_start3A_79 = arith.constant 0 : i32
    %dma_start3A_80 = arith.constant 0 : i32
    %dma_start3A_81 = tpu.memref_slice %arg8[%dma_start3A_67, %dma_start3A_79, %dma_start3A_80] : memref<2x2x80xi32, #tpu.memory_space<vmem>> -> memref<1x1x80xi32, #tpu.memory_space<vmem>>
    %dma_start3A_82 = tpu.memref_squeeze %dma_start3A_81 : memref<1x1x80xi32, #tpu.memory_space<vmem>> -> memref<1x80xi32, #tpu.memory_space<vmem>>
    %dma_start3A_83 = arith.constant 124 : i32
    %dma_start3A_84 = arith.constant 0 : i32
    %dma_start3A_85 = tpu.memref_slice %arg3[%dma_start3A_66, %add3A, %dma_start3A_83, %dma_start3A_84] : memref<2x32x125x80xi32, #tpu.memory_space<hbm>> -> memref<1x1x1x80xi32, #tpu.memory_space<hbm>>
    %dma_start3A_86 = tpu.memref_squeeze %dma_start3A_85 : memref<1x1x1x80xi32, #tpu.memory_space<hbm>> -> memref<1x80xi32, #tpu.memory_space<hbm>>
    tpu.enqueue_dma source(%dma_start3A_86 : memref<1x80xi32, #tpu.memory_space<hbm>>) target(%dma_start3A_82 : memref<1x80xi32, #tpu.memory_space<vmem>>) target_semaphore(%dma_start3A_78 : memref<!tpu.dma_semaphore, #tpu.memory_space<semaphore_mem>>)
    %dma_wait3A = arith.constant 1 : i32
    %dma_wait3A_87 = arith.constant 1 : i32
    %dma_wait3A_88 = arith.constant 0 : i32
    %dma_wait3A_89 = arith.constant 1 : i32
    %dma_wait3A_90 = arith.constant 0 : i32
    %dma_wait3A_91 = arith.constant 0 : i32
    %dma_wait3A_92 = tpu.memref_slice %arg7[%dma_wait3A, %dma_wait3A_90, %dma_wait3A_91] : memref<2x160x128xf32, #tpu.memory_space<vmem>> -> memref<1x80x128xf32, #tpu.memory_space<vmem>>
    %dma_wait3A_93 = tpu.memref_squeeze %dma_wait3A_92 : memref<1x80x128xf32, #tpu.memory_space<vmem>> -> memref<80x128xf32, #tpu.memory_space<vmem>>
    %dma_wait3A_94 = arith.constant 0 : i32
    %dma_wait3A_95 = tpu.memref_slice %arg8[%dma_wait3A_87, %dma_wait3A_88, %dma_wait3A_94] : memref<2x2x80xi32, #tpu.memory_space<vmem>> -> memref<1x1x80xi32, #tpu.memory_space<vmem>>
    %dma_wait3A_96 = tpu.memref_squeeze %dma_wait3A_95 : memref<1x1x80xi32, #tpu.memory_space<vmem>> -> memref<80xi32, #tpu.memory_space<vmem>>
    %dma_wait3A_97 = arith.constant 0 : i32
    %dma_wait3A_98 = arith.constant 0 : i32
    %dma_wait3A_99 = tpu.memref_slice %arg6[%dma_wait3A_97, %dma_wait3A_98] : memref<10240x128xf32, #tpu.memory_space<vmem_shared>> -> memref<10240x128xf32, #tpu.memory_space<vmem_shared>>
    %dma_wait3A_100 = tpu.memref_slice %arg11[%dma_wait3A_89] : memref<2x!tpu.dma_semaphore, #tpu.memory_space<semaphore_mem>> -> memref<1x!tpu.dma_semaphore, #tpu.memory_space<semaphore_mem>>
    %dma_wait3A_101 = tpu.memref_squeeze %dma_wait3A_100 : memref<1x!tpu.dma_semaphore, #tpu.memory_space<semaphore_mem>> -> memref<!tpu.dma_semaphore, #tpu.memory_space<semaphore_mem>>
    tpu.wait_indirect_dma semaphore(%dma_wait3A_101 : memref<!tpu.dma_semaphore, #tpu.memory_space<semaphore_mem>>) src(%dma_wait3A_93 : memref<80x128xf32, #tpu.memory_space<vmem>>) dst(%dma_wait3A_99 : memref<10240x128xf32, #tpu.memory_space<vmem_shared>>)
    %dma_wait3A_102 = arith.constant 1 : i32
    %dma_wait3A_103 = arith.constant 1 : i32
    %dma_wait3A_104 = arith.constant 1 : i32
    %dma_wait3A_105 = arith.constant 1 : i32
    %dma_wait3A_106 = arith.constant 80 : i32
    %dma_wait3A_107 = arith.constant 0 : i32
    %dma_wait3A_108 = tpu.memref_slice %arg7[%dma_wait3A_102, %dma_wait3A_106, %dma_wait3A_107] : memref<2x160x128xf32, #tpu.memory_space<vmem>> -> memref<1x80x128xf32, #tpu.memory_space<vmem>>
    %dma_wait3A_109 = tpu.memref_squeeze %dma_wait3A_108 : memref<1x80x128xf32, #tpu.memory_space<vmem>> -> memref<80x128xf32, #tpu.memory_space<vmem>>
    %dma_wait3A_110 = arith.constant 0 : i32
    %dma_wait3A_111 = tpu.memref_slice %arg8[%dma_wait3A_103, %dma_wait3A_104, %dma_wait3A_110] : memref<2x2x80xi32, #tpu.memory_space<vmem>> -> memref<1x1x80xi32, #tpu.memory_space<vmem>>
    %dma_wait3A_112 = tpu.memref_squeeze %dma_wait3A_111 : memref<1x1x80xi32, #tpu.memory_space<vmem>> -> memref<80xi32, #tpu.memory_space<vmem>>
    %dma_wait3A_113 = arith.constant 0 : i32
    %dma_wait3A_114 = arith.constant 0 : i32
    %dma_wait3A_115 = tpu.memref_slice %arg6[%dma_wait3A_113, %dma_wait3A_114] : memref<10240x128xf32, #tpu.memory_space<vmem_shared>> -> memref<10240x128xf32, #tpu.memory_space<vmem_shared>>
    %dma_wait3A_116 = tpu.memref_slice %arg11[%dma_wait3A_105] : memref<2x!tpu.dma_semaphore, #tpu.memory_space<semaphore_mem>> -> memref<1x!tpu.dma_semaphore, #tpu.memory_space<semaphore_mem>>
    %dma_wait3A_117 = tpu.memref_squeeze %dma_wait3A_116 : memref<1x!tpu.dma_semaphore, #tpu.memory_space<semaphore_mem>> -> memref<!tpu.dma_semaphore, #tpu.memory_space<semaphore_mem>>
    tpu.wait_indirect_dma semaphore(%dma_wait3A_117 : memref<!tpu.dma_semaphore, #tpu.memory_space<semaphore_mem>>) src(%dma_wait3A_109 : memref<80x128xf32, #tpu.memory_space<vmem>>) dst(%dma_wait3A_115 : memref<10240x128xf32, #tpu.memory_space<vmem_shared>>)
    %add3A_118 = arith.constant 9920 : i32
    %add3A_119 = arith.addi %mul3A_2, %add3A_118 : i32
    %dma_wait3A_120 = arith.constant 0 : i32
    %dma_wait3A_121 = arith.constant 0 : i32
    %dma_wait3A_122 = arith.constant 0 : i32
    %dma_wait3A_123 = arith.constant 0 : i32
    %dma_wait3A_124 = tpu.memref_slice %arg7[%dma_wait3A_120, %dma_wait3A_122, %dma_wait3A_123] : memref<2x160x128xf32, #tpu.memory_space<vmem>> -> memref<1x80x128xf32, #tpu.memory_space<vmem>>
    %dma_wait3A_125 = tpu.memref_squeeze %dma_wait3A_124 : memref<1x80x128xf32, #tpu.memory_space<vmem>> -> memref<80x128xf32, #tpu.memory_space<vmem>>
    %dma_wait3A_126 = arith.constant 0 : i32
    %dma_wait3A_127 = tpu.memref_slice %arg2[%add3A_119, %dma_wait3A_126] : memref<320000x128xf32, #tpu.memory_space<hbm>> -> memref<80x128xf32, #tpu.memory_space<hbm>>
    %dma_wait3A_128 = tpu.memref_slice %arg9[%dma_wait3A_121] : memref<2x!tpu.dma_semaphore, #tpu.memory_space<semaphore_mem>> -> memref<1x!tpu.dma_semaphore, #tpu.memory_space<semaphore_mem>>
    %dma_wait3A_129 = tpu.memref_squeeze %dma_wait3A_128 : memref<1x!tpu.dma_semaphore, #tpu.memory_space<semaphore_mem>> -> memref<!tpu.dma_semaphore, #tpu.memory_space<semaphore_mem>>
    %dma_wait3A_130 = arith.constant 0 : i32
    %dma_wait3A_131 = arith.constant 0 : i32
    %dma_wait3A_132 = tpu.memref_slice %arg7[%dma_wait3A_120, %dma_wait3A_130, %dma_wait3A_131] : memref<2x160x128xf32, #tpu.memory_space<vmem>> -> memref<1x80x128xf32, #tpu.memory_space<vmem>>
    %dma_wait3A_133 = tpu.memref_squeeze %dma_wait3A_132 : memref<1x80x128xf32, #tpu.memory_space<vmem>> -> memref<80x128xf32, #tpu.memory_space<vmem>>
    %dma_wait3A_134 = arith.constant 0 : i32
    %dma_wait3A_135 = tpu.memref_slice %arg2[%add3A_119, %dma_wait3A_134] : memref<320000x128xf32, #tpu.memory_space<hbm>> -> memref<80x128xf32, #tpu.memory_space<hbm>>
    tpu.wait_dma2 semaphore(%dma_wait3A_129 : memref<!tpu.dma_semaphore, #tpu.memory_space<semaphore_mem>>) src(%dma_wait3A_135 : memref<80x128xf32, #tpu.memory_space<hbm>>) dst(%dma_wait3A_133 : memref<80x128xf32, #tpu.memory_space<vmem>>)
    %dma_wait3A_136 = arith.constant 1 : i32
    %dma_wait3A_137 = arith.constant 0 : i32
    %dma_wait3A_138 = arith.constant 0 : i32
    %dma_wait3A_139 = arith.constant 0 : i32
    %dma_wait3A_140 = arith.constant 0 : i32
    %dma_wait3A_141 = tpu.memref_slice %arg8[%dma_wait3A_137, %dma_wait3A_139, %dma_wait3A_140] : memref<2x2x80xi32, #tpu.memory_space<vmem>> -> memref<1x1x80xi32, #tpu.memory_space<vmem>>
    %dma_wait3A_142 = tpu.memref_squeeze %dma_wait3A_141 : memref<1x1x80xi32, #tpu.memory_space<vmem>> -> memref<1x80xi32, #tpu.memory_space<vmem>>
    %dma_wait3A_143 = arith.constant 124 : i32
    %dma_wait3A_144 = arith.constant 0 : i32
    %dma_wait3A_145 = tpu.memref_slice %arg3[%dma_wait3A_136, %add3A, %dma_wait3A_143, %dma_wait3A_144] : memref<2x32x125x80xi32, #tpu.memory_space<hbm>> -> memref<1x1x1x80xi32, #tpu.memory_space<hbm>>
    %dma_wait3A_146 = tpu.memref_squeeze %dma_wait3A_145 : memref<1x1x1x80xi32, #tpu.memory_space<hbm>> -> memref<1x80xi32, #tpu.memory_space<hbm>>
    %dma_wait3A_147 = tpu.memref_slice %arg10[%dma_wait3A_138] : memref<2x!tpu.dma_semaphore, #tpu.memory_space<semaphore_mem>> -> memref<1x!tpu.dma_semaphore, #tpu.memory_space<semaphore_mem>>
    %dma_wait3A_148 = tpu.memref_squeeze %dma_wait3A_147 : memref<1x!tpu.dma_semaphore, #tpu.memory_space<semaphore_mem>> -> memref<!tpu.dma_semaphore, #tpu.memory_space<semaphore_mem>>
    %dma_wait3A_149 = arith.constant 0 : i32
    %dma_wait3A_150 = arith.constant 0 : i32
    %dma_wait3A_151 = tpu.memref_slice %arg8[%dma_wait3A_137, %dma_wait3A_149, %dma_wait3A_150] : memref<2x2x80xi32, #tpu.memory_space<vmem>> -> memref<1x1x80xi32, #tpu.memory_space<vmem>>
    %dma_wait3A_152 = tpu.memref_squeeze %dma_wait3A_151 : memref<1x1x80xi32, #tpu.memory_space<vmem>> -> memref<1x80xi32, #tpu.memory_space<vmem>>
    %dma_wait3A_153 = arith.constant 124 : i32
    %dma_wait3A_154 = arith.constant 0 : i32
    %dma_wait3A_155 = tpu.memref_slice %arg3[%dma_wait3A_136, %add3A, %dma_wait3A_153, %dma_wait3A_154] : memref<2x32x125x80xi32, #tpu.memory_space<hbm>> -> memref<1x1x1x80xi32, #tpu.memory_space<hbm>>
    %dma_wait3A_156 = tpu.memref_squeeze %dma_wait3A_155 : memref<1x1x1x80xi32, #tpu.memory_space<hbm>> -> memref<1x80xi32, #tpu.memory_space<hbm>>
    tpu.wait_dma2 semaphore(%dma_wait3A_148 : memref<!tpu.dma_semaphore, #tpu.memory_space<semaphore_mem>>) src(%dma_wait3A_156 : memref<1x80xi32, #tpu.memory_space<hbm>>) dst(%dma_wait3A_152 : memref<1x80xi32, #tpu.memory_space<vmem>>)
    %dma_start3A_157 = arith.constant 0 : i32
    %dma_start3A_158 = arith.constant 0 : i32
    %dma_start3A_159 = arith.constant 0 : i32
    %dma_start3A_160 = arith.constant 0 : i32
    %dma_start3A_161 = arith.constant 0 : i32
    %dma_start3A_162 = arith.constant 0 : i32
    %dma_start3A_163 = tpu.memref_slice %arg7[%dma_start3A_157, %dma_start3A_161, %dma_start3A_162] : memref<2x160x128xf32, #tpu.memory_space<vmem>> -> memref<1x80x128xf32, #tpu.memory_space<vmem>>
    %dma_start3A_164 = tpu.memref_squeeze %dma_start3A_163 : memref<1x80x128xf32, #tpu.memory_space<vmem>> -> memref<80x128xf32, #tpu.memory_space<vmem>>
    %dma_start3A_165 = arith.constant 0 : i32
    %dma_start3A_166 = tpu.memref_slice %arg8[%dma_start3A_158, %dma_start3A_159, %dma_start3A_165] : memref<2x2x80xi32, #tpu.memory_space<vmem>> -> memref<1x1x80xi32, #tpu.memory_space<vmem>>
    %dma_start3A_167 = tpu.memref_squeeze %dma_start3A_166 : memref<1x1x80xi32, #tpu.memory_space<vmem>> -> memref<80xi32, #tpu.memory_space<vmem>>
    %dma_start3A_168 = arith.constant 0 : i32
    %dma_start3A_169 = arith.constant 0 : i32
    %dma_start3A_170 = tpu.memref_slice %arg6[%dma_start3A_168, %dma_start3A_169] : memref<10240x128xf32, #tpu.memory_space<vmem_shared>> -> memref<10240x128xf32, #tpu.memory_space<vmem_shared>>
    %dma_start3A_171 = tpu.memref_slice %arg11[%dma_start3A_160] : memref<2x!tpu.dma_semaphore, #tpu.memory_space<semaphore_mem>> -> memref<1x!tpu.dma_semaphore, #tpu.memory_space<semaphore_mem>>
    %dma_start3A_172 = tpu.memref_squeeze %dma_start3A_171 : memref<1x!tpu.dma_semaphore, #tpu.memory_space<semaphore_mem>> -> memref<!tpu.dma_semaphore, #tpu.memory_space<semaphore_mem>>
    tpu.enqueue_indirect_dma source(%dma_start3A_164 : memref<80x128xf32, #tpu.memory_space<vmem>>) target(%dma_start3A_170 : memref<10240x128xf32, #tpu.memory_space<vmem_shared>>) offsets(%dma_start3A_167 : memref<80xi32, #tpu.memory_space<vmem>>) semaphore(%dma_start3A_172 : memref<!tpu.dma_semaphore, #tpu.memory_space<semaphore_mem>>) {add = true}
    %dma_wait3A_173 = arith.constant 0 : i32
    %dma_wait3A_174 = arith.constant 0 : i32
    %dma_wait3A_175 = arith.constant 0 : i32
    %dma_wait3A_176 = arith.constant 0 : i32
    %dma_wait3A_177 = arith.constant 0 : i32
    %dma_wait3A_178 = arith.constant 0 : i32
    %dma_wait3A_179 = tpu.memref_slice %arg7[%dma_wait3A_173, %dma_wait3A_177, %dma_wait3A_178] : memref<2x160x128xf32, #tpu.memory_space<vmem>> -> memref<1x80x128xf32, #tpu.memory_space<vmem>>
    %dma_wait3A_180 = tpu.memref_squeeze %dma_wait3A_179 : memref<1x80x128xf32, #tpu.memory_space<vmem>> -> memref<80x128xf32, #tpu.memory_space<vmem>>
    %dma_wait3A_181 = arith.constant 0 : i32
    %dma_wait3A_182 = tpu.memref_slice %arg8[%dma_wait3A_174, %dma_wait3A_175, %dma_wait3A_181] : memref<2x2x80xi32, #tpu.memory_space<vmem>> -> memref<1x1x80xi32, #tpu.memory_space<vmem>>
    %dma_wait3A_183 = tpu.memref_squeeze %dma_wait3A_182 : memref<1x1x80xi32, #tpu.memory_space<vmem>> -> memref<80xi32, #tpu.memory_space<vmem>>
    %dma_wait3A_184 = arith.constant 0 : i32
    %dma_wait3A_185 = arith.constant 0 : i32
    %dma_wait3A_186 = tpu.memref_slice %arg6[%dma_wait3A_184, %dma_wait3A_185] : memref<10240x128xf32, #tpu.memory_space<vmem_shared>> -> memref<10240x128xf32, #tpu.memory_space<vmem_shared>>
    %dma_wait3A_187 = tpu.memref_slice %arg11[%dma_wait3A_176] : memref<2x!tpu.dma_semaphore, #tpu.memory_space<semaphore_mem>> -> memref<1x!tpu.dma_semaphore, #tpu.memory_space<semaphore_mem>>
    %dma_wait3A_188 = tpu.memref_squeeze %dma_wait3A_187 : memref<1x!tpu.dma_semaphore, #tpu.memory_space<semaphore_mem>> -> memref<!tpu.dma_semaphore, #tpu.memory_space<semaphore_mem>>
    tpu.wait_indirect_dma semaphore(%dma_wait3A_188 : memref<!tpu.dma_semaphore, #tpu.memory_space<semaphore_mem>>) src(%dma_wait3A_180 : memref<80x128xf32, #tpu.memory_space<vmem>>) dst(%dma_wait3A_186 : memref<10240x128xf32, #tpu.memory_space<vmem_shared>>)
    %barrier3A_189 = arith.constant 0 : index
    tpu.barrier barrier_id(%barrier3A_189)
    %mul3A_190 = arith.constant 640 : i32
    %mul3A_191 = arith.muli %arg1, %mul3A_190 : i32
    "tpu.region"() ({
      %run_scoped3A = tpu.sem_alloc : memref<!tpu.dma_semaphore, #tpu.memory_space<semaphore_mem>>
      %dma_start3A_192 = arith.constant 0 : i32
      %dma_start3A_193 = tpu.memref_slice %arg5[%arg0, %mul3A_191, %dma_start3A_192] : memref<2x10240x128xf32, #tpu.memory_space<hbm>> -> memref<1x640x128xf32, #tpu.memory_space<hbm>>
      %dma_start3A_194 = tpu.memref_squeeze %dma_start3A_193 : memref<1x640x128xf32, #tpu.memory_space<hbm>> -> memref<640x128xf32, #tpu.memory_space<hbm>>
      %dma_start3A_195 = arith.constant 0 : i32
      %dma_start3A_196 = tpu.memref_slice %arg6[%mul3A_191, %dma_start3A_195] : memref<10240x128xf32, #tpu.memory_space<vmem_shared>> -> memref<640x128xf32, #tpu.memory_space<vmem_shared>>
      tpu.enqueue_dma source(%dma_start3A_196 : memref<640x128xf32, #tpu.memory_space<vmem_shared>>) target(%dma_start3A_194 : memref<640x128xf32, #tpu.memory_space<hbm>>) target_semaphore(%run_scoped3A : memref<!tpu.dma_semaphore, #tpu.memory_space<semaphore_mem>>)
      %dma_wait3A_197 = arith.constant 0 : i32
      %dma_wait3A_198 = tpu.memref_slice %arg5[%arg0, %mul3A_191, %dma_wait3A_197] : memref<2x10240x128xf32, #tpu.memory_space<hbm>> -> memref<1x640x128xf32, #tpu.memory_space<hbm>>
      %dma_wait3A_199 = tpu.memref_squeeze %dma_wait3A_198 : memref<1x640x128xf32, #tpu.memory_space<hbm>> -> memref<640x128xf32, #tpu.memory_space<hbm>>
      %dma_wait3A_200 = arith.constant 0 : i32
      %dma_wait3A_201 = tpu.memref_slice %arg6[%mul3A_191, %dma_wait3A_200] : memref<10240x128xf32, #tpu.memory_space<vmem_shared>> -> memref<640x128xf32, #tpu.memory_space<vmem_shared>>
      tpu.wait_dma2 semaphore(%run_scoped3A : memref<!tpu.dma_semaphore, #tpu.memory_space<semaphore_mem>>) src(%dma_wait3A_201 : memref<640x128xf32, #tpu.memory_space<vmem_shared>>) dst(%dma_wait3A_199 : memref<640x128xf32, #tpu.memory_space<hbm>>)
      tpu.yield
    }) : () -> ()
    return
  }
}

module attributes {stable_mosaic.version = 14 : i64} {
  func.func @_tc_body(%arg0: i32, %arg1: memref<2x2000x128xf32, #tpu.memory_space<vmem>>, %arg2: memref<2000x128xf32, #tpu.memory_space<vmem>>, %arg3: memref<128x128xf32, #tpu.memory_space<vmem>>, %arg4: memref<1x128xf32, #tpu.memory_space<vmem>>, %arg5: memref<128x128xf32, #tpu.memory_space<vmem>>, %arg6: memref<1x128xf32, #tpu.memory_space<vmem>>, %arg7: memref<1x128xf32, #tpu.memory_space<vmem>>, %arg8: memref<1x128xf32, #tpu.memory_space<vmem>>, %arg9: memref<2000x128xf32, #tpu.memory_space<vmem>>) attributes {dimension_semantics = [#tpu.dimension_semantics<arbitrary>], iteration_bounds = array<i64: 5>, scalar_prefetch = 0 : i64, scratch_operands = 0 : i64, tpu.core_type = #tpu.core_type<tc>, window_params = [{transform_indices = @transform_0, window_bounds = array<i64: 2, 2000, 128>}, {transform_indices = @transform_1, window_bounds = array<i64: 2000, 128>}, {pipeline_mode = #tpu.pipeline_mode<synchronous>, transform_indices = @transform_2, window_bounds = array<i64: 128, 128>}, {pipeline_mode = #tpu.pipeline_mode<synchronous>, transform_indices = @transform_3, window_bounds = array<i64: 1, 128>}, {pipeline_mode = #tpu.pipeline_mode<synchronous>, transform_indices = @transform_4, window_bounds = array<i64: 128, 128>}, {pipeline_mode = #tpu.pipeline_mode<synchronous>, transform_indices = @transform_5, window_bounds = array<i64: 1, 128>}, {pipeline_mode = #tpu.pipeline_mode<synchronous>, transform_indices = @transform_6, window_bounds = array<i64: 1, 128>}, {pipeline_mode = #tpu.pipeline_mode<synchronous>, transform_indices = @transform_7, window_bounds = array<i64: 1, 128>}, {transform_indices = @transform_8, window_bounds = array<i64: 2000, 128>}]} {
    %get3A = arith.constant 0 : index
    %get3A_0 = arith.constant 0 : index
    %get3A_1 = arith.constant 0 : index
    %get3A_2 = vector.load %arg1[%get3A, %get3A_0, %get3A_1] : memref<2x2000x128xf32, #tpu.memory_space<vmem>>, vector<1x2000x128xf32>
    %get3A_3 = vector.shape_cast %get3A_2 : vector<1x2000x128xf32> to vector<2000x128xf32>
    %get3A_4 = arith.constant 1 : index
    %get3A_5 = arith.constant 0 : index
    %get3A_6 = arith.constant 0 : index
    %get3A_7 = vector.load %arg1[%get3A_4, %get3A_5, %get3A_6] : memref<2x2000x128xf32, #tpu.memory_space<vmem>>, vector<1x2000x128xf32>
    %get3A_8 = vector.shape_cast %get3A_7 : vector<1x2000x128xf32> to vector<2000x128xf32>
    %add3A = arith.addf %get3A_3, %get3A_8 : vector<2000x128xf32>
    %get3A_9 = arith.constant 0 : index
    %get3A_10 = arith.constant 0 : index
    %get3A_11 = vector.load %arg3[%get3A_9, %get3A_10] : memref<128x128xf32, #tpu.memory_space<vmem>>, vector<128x128xf32>
    %dot_general3A = arith.constant dense<0.000000e+00> : vector<2000x128xf32>
    %dot_general3A_12 = tpu.matmul %add3A, %get3A_11, %dot_general3A {dimension_numbers = #tpu.dot_dimension_numbers<[1], [0], [0], [1], [0, 0, 1, 1], [], []>, transpose_lhs_hint = false} : vector<2000x128xf32>, vector<128x128xf32>, vector<2000x128xf32> -> vector<2000x128xf32>
    %get3A_13 = arith.constant 0 : index
    %get3A_14 = arith.constant 0 : index
    %get3A_15 = vector.load %arg4[%get3A_13, %get3A_14] : memref<1x128xf32, #tpu.memory_space<vmem>>, vector<1x128xf32>
    %add3A_16 = vector.broadcast %get3A_15 : vector<1x128xf32> to vector<2000x128xf32>
    %add3A_17 = arith.addf %dot_general3A_12, %add3A_16 : vector<2000x128xf32>
    %max3A = arith.constant 0.000000e+00 : f32
    %max3A_18 = vector.broadcast %max3A : f32 to vector<2000x128xf32>
    %max3A_19 = arith.maximumf %add3A_17, %max3A_18 : vector<2000x128xf32>
    %abs3A = math.absf %add3A_17 : vector<2000x128xf32>
    %neg3A = arith.constant 0.000000e+00 : f32
    %neg3A_20 = vector.broadcast %neg3A : f32 to vector<2000x128xf32>
    %neg3A_21 = arith.subf %neg3A_20, %abs3A : vector<2000x128xf32>
    %exp3A = math.exp %neg3A_21 : vector<2000x128xf32>
    %log1p3A = math.log1p %exp3A : vector<2000x128xf32>
    %add3A_22 = arith.addf %max3A_19, %log1p3A : vector<2000x128xf32>
    %sub3A = arith.constant 0.693147182 : f32
    %sub3A_23 = vector.broadcast %sub3A : f32 to vector<2000x128xf32>
    %sub3A_24 = arith.subf %add3A_22, %sub3A_23 : vector<2000x128xf32>
    %get3A_25 = arith.constant 0 : index
    %get3A_26 = arith.constant 0 : index
    %get3A_27 = vector.load %arg5[%get3A_25, %get3A_26] : memref<128x128xf32, #tpu.memory_space<vmem>>, vector<128x128xf32>
    %dot_general3A_28 = arith.constant dense<0.000000e+00> : vector<2000x128xf32>
    %dot_general3A_29 = tpu.matmul %sub3A_24, %get3A_27, %dot_general3A_28 {dimension_numbers = #tpu.dot_dimension_numbers<[1], [0], [0], [1], [0, 0, 1, 1], [], []>, transpose_lhs_hint = false} : vector<2000x128xf32>, vector<128x128xf32>, vector<2000x128xf32> -> vector<2000x128xf32>
    %get3A_30 = arith.constant 0 : index
    %get3A_31 = arith.constant 0 : index
    %get3A_32 = vector.load %arg6[%get3A_30, %get3A_31] : memref<1x128xf32, #tpu.memory_space<vmem>>, vector<1x128xf32>
    %add3A_33 = vector.broadcast %get3A_32 : vector<1x128xf32> to vector<2000x128xf32>
    %add3A_34 = arith.addf %dot_general3A_29, %add3A_33 : vector<2000x128xf32>
    %reduce_sum3A = arith.constant dense<0.000000e+00> : vector<2000xf32>
    %reduce_sum3A_35 = vector.multi_reduction <add>, %add3A_34, %reduce_sum3A [1] : vector<2000x128xf32> to vector<2000xf32>
    %broadcast_in_dim3A = vector.shape_cast %reduce_sum3A_35 : vector<2000xf32> to vector<2000x1xf32>
    %div3A = arith.constant 1.280000e+02 : f32
    %div3A_36 = vector.broadcast %div3A : f32 to vector<2000x1xf32>
    %div3A_37 = arith.divf %broadcast_in_dim3A, %div3A_36 : vector<2000x1xf32>
    %sub3A_38 = vector.broadcast %div3A_37 : vector<2000x1xf32> to vector<2000x128xf32>
    %sub3A_39 = arith.subf %add3A_34, %sub3A_38 : vector<2000x128xf32>
    %mul3A = arith.mulf %sub3A_39, %sub3A_39 : vector<2000x128xf32>
    %reduce_sum3A_40 = arith.constant dense<0.000000e+00> : vector<2000xf32>
    %reduce_sum3A_41 = vector.multi_reduction <add>, %mul3A, %reduce_sum3A_40 [1] : vector<2000x128xf32> to vector<2000xf32>
    %broadcast_in_dim3A_42 = vector.shape_cast %reduce_sum3A_41 : vector<2000xf32> to vector<2000x1xf32>
    %div3A_43 = arith.constant 1.280000e+02 : f32
    %div3A_44 = vector.broadcast %div3A_43 : f32 to vector<2000x1xf32>
    %div3A_45 = arith.divf %broadcast_in_dim3A_42, %div3A_44 : vector<2000x1xf32>
    %get3A_46 = arith.constant 0 : index
    %get3A_47 = arith.constant 0 : index
    %get3A_48 = vector.load %arg2[%get3A_46, %get3A_47] : memref<2000x128xf32, #tpu.memory_space<vmem>>, vector<2000x128xf32>
    %add3A_49 = arith.constant 9.99999974E-6 : f32
    %add3A_50 = vector.broadcast %add3A_49 : f32 to vector<2000x1xf32>
    %add3A_51 = arith.addf %div3A_45, %add3A_50 : vector<2000x1xf32>
    %rsqrt3A = math.rsqrt %add3A_51 : vector<2000x1xf32>
    %mul3A_52 = vector.broadcast %rsqrt3A : vector<2000x1xf32> to vector<2000x128xf32>
    %mul3A_53 = arith.mulf %sub3A_39, %mul3A_52 : vector<2000x128xf32>
    %get3A_54 = arith.constant 0 : index
    %get3A_55 = arith.constant 0 : index
    %get3A_56 = vector.load %arg7[%get3A_54, %get3A_55] : memref<1x128xf32, #tpu.memory_space<vmem>>, vector<1x128xf32>
    %mul3A_57 = vector.broadcast %get3A_56 : vector<1x128xf32> to vector<2000x128xf32>
    %mul3A_58 = arith.mulf %mul3A_53, %mul3A_57 : vector<2000x128xf32>
    %add3A_59 = arith.addf %get3A_48, %mul3A_58 : vector<2000x128xf32>
    %get3A_60 = arith.constant 0 : index
    %get3A_61 = arith.constant 0 : index
    %get3A_62 = vector.load %arg8[%get3A_60, %get3A_61] : memref<1x128xf32, #tpu.memory_space<vmem>>, vector<1x128xf32>
    %add3A_63 = vector.broadcast %get3A_62 : vector<1x128xf32> to vector<2000x128xf32>
    %add3A_64 = arith.addf %add3A_59, %add3A_63 : vector<2000x128xf32>
    %swap3A = arith.constant 0 : index
    %swap3A_65 = arith.constant 0 : index
    %swap3A_66 = vector.load %arg9[%swap3A, %swap3A_65] : memref<2000x128xf32, #tpu.memory_space<vmem>>, vector<2000x128xf32>
    tpu.vector_store %arg9[%swap3A, %swap3A_65], %add3A_64 {strides = array<i32>} : memref<2000x128xf32, #tpu.memory_space<vmem>>, vector<2000x128xf32>,
    return
  }
  func.func @transform_0(%arg0: i32) -> (i32, i32, i32) {
    %c0_i32 = arith.constant 0 : i32
    %c0_i32_0 = arith.constant 0 : i32
    %c0_i32_1 = arith.constant 0 : i32
    return %c0_i32, %arg0, %c0_i32_0 : i32, i32, i32
  }
  func.func @transform_1(%arg0: i32) -> (i32, i32) {
    %c0_i32 = arith.constant 0 : i32
    %c0_i32_0 = arith.constant 0 : i32
    return %arg0, %c0_i32 : i32, i32
  }
  func.func @transform_2(%arg0: i32) -> (i32, i32) {
    %c0_i32 = arith.constant 0 : i32
    %c0_i32_0 = arith.constant 0 : i32
    %c0_i32_1 = arith.constant 0 : i32
    return %c0_i32, %c0_i32_0 : i32, i32
  }
  func.func @transform_3(%arg0: i32) -> (i32, i32) {
    %c0_i32 = arith.constant 0 : i32
    %c0_i32_0 = arith.constant 0 : i32
    %c0_i32_1 = arith.constant 0 : i32
    return %c0_i32, %c0_i32_0 : i32, i32
  }
  func.func @transform_4(%arg0: i32) -> (i32, i32) {
    %c0_i32 = arith.constant 0 : i32
    %c0_i32_0 = arith.constant 0 : i32
    %c0_i32_1 = arith.constant 0 : i32
    return %c0_i32, %c0_i32_0 : i32, i32
  }
  func.func @transform_5(%arg0: i32) -> (i32, i32) {
    %c0_i32 = arith.constant 0 : i32
    %c0_i32_0 = arith.constant 0 : i32
    %c0_i32_1 = arith.constant 0 : i32
    return %c0_i32, %c0_i32_0 : i32, i32
  }
  func.func @transform_6(%arg0: i32) -> (i32, i32) {
    %c0_i32 = arith.constant 0 : i32
    %c0_i32_0 = arith.constant 0 : i32
    %c0_i32_1 = arith.constant 0 : i32
    return %c0_i32, %c0_i32_0 : i32, i32
  }
  func.func @transform_7(%arg0: i32) -> (i32, i32) {
    %c0_i32 = arith.constant 0 : i32
    %c0_i32_0 = arith.constant 0 : i32
    %c0_i32_1 = arith.constant 0 : i32
    return %c0_i32, %c0_i32_0 : i32, i32
  }
  func.func @transform_8(%arg0: i32) -> (i32, i32) {
    %c0_i32 = arith.constant 0 : i32
    %c0_i32_0 = arith.constant 0 : i32
    return %arg0, %c0_i32 : i32, i32
  }
}

</mosaic_0001>

<sc_bundles>
// kernel: kernel.4.cloned.1.call-start
scs
__scs_entry_jumppad:
0x0: {  	(pc) =	sbr.rel $0x88, $3  }
0x1: {  	(tag) =	ssettag $0x0;
	lr =	simm.s32 $0x1  }
0x2: {  	[smem:$0x3F98] =	sst lr;
	_ =	strace $0xD0000000  }
0x3: {  	_ = 	snop  }
0x4: {  	_ = 	snop  }
0x5: {  	_ = 	snop  }
0x6: {  	_ = 	snop  }
0x7: {  	_ = 	snop  }
__scs_overlays_trampoline_lowered:
0x8: {  	[smem:$0x3FA7] =	sst s0  }
0x9: {  	[smem:$0x3FA8] =	sst s1  }
0xa: {  	[smem:$0x3FA9] =	sst s2  }
0xb: {  	[smem:$0x3FAA] =	sst s3  }
0xc: {  	[smem:$0x3FAB] =	sst s4  }
0xd: {  	[smem:$0x3FAC] =	sst s5  }
0xe: {  	[smem:$0x3FAD] =	sst s6  }
0xf: {  	[smem:$0x3FAE] =	sst s7  }
0x10: {  	[smem:$0x3FAF] =	sst s8  }
0x11: {  	[smem:$0x3FB0] =	sst s9;
	s0 =	simm.s32 @!p0 $0x0  }
0x12: {  	s1 =	sld [smem:$0x3F96];
	s0 =	simm.s32 @p0 $0x1  }
0x13: {  	[smem:$0x3FB1] =	sst s0;
	s0 =	simm.s32 @!p1 $0x0  }
0x14: {  	s2 =	sld [smem:$0x3F95];
	s0 =	simm.s32 @p1 $0x1  }
0x15: {  	[smem:$0x3FB2] =	sst s0;
	s0 =	simm.s32 @!p2 $0x0  }
0x16: {  	s3 =	sld [smem:$0x3FDB];
	s0 =	simm.s32 @p2 $0x1  }
0x17: {  	s4 =	simm.s32 $0x1BF5;
	[smem:$0x3FB4] =	sst s0  }
0x18: {  	s0 =	sld [smem:$0x3F97];
	_ =	swait.ge [sflag:s4], $0x0  }
0x19: {  	s7 =	sld [smem:$0x3F98]  }
0x1a: {  	s8 =	sadd.s32 $0xFFFFE003, lr  }
0x1b: {  	s9 =	sadd.s32 $0xFFFFFEF7, lr;
	s5 =	simm.s32 $0xFFFFFFFF;
	p2 =	slt.u32 s8, $0xFFFFF086  }
0x1c: {  	p1 =	slt.u32 s9, $0xF7A;
	s5 =	simm.s32 @!p2 $0x0  }
0x1d: {  	s5 =	simm.s32 @p1 $0x1;
	p0 =	seq.s32 s7, s2  }
0x1e: {  	s7 =	smul.u32 @!p0 $0xF7A, s2;
	p2 =	seq.s32 @!p0 s5, $0x0  }
0x1f: {  	s9 =	smul.u32 $0xF7A, s1;
	s8 =	simm.s32 @!p0 $0x1BF5;
	p2 =	por !p2, p0  }
0x20: {  	[sflag:s8] =	ssyncset.s32 @!p0 $0xFFFFF086;
	s6 =	sadd.s32 @!p0 s3, s7;
	s7 =	simm.s32 @!p0 $0x108  }
0x21: {  	s3 =	sadd.s32 s3, s9;
	s6 =	sadd.s32 @!p0 $0x88, s6;
	s7 =	simm.s32 @p2 $0x1082  }
0x22: {  	[simem:s7], [sflag:s8] =	dma.local @!p0 [hbm:s6], $0xF7A  }
0x23: {  	s9 =	sor.u32 $0xD0000000, s2;
	s6 =	simm.s32 $0x108;
	_ =	swait.ge @!p0 [sflag:s8], $0x0  }
0x24: {  	s3 =	sadd.s32 $0x88, s3;
	s6 =	simm.s32 @!p1 $0x1082;
	[sflag:s4] =	ssyncset.s32 $0xFFFFF086  }
0x25: {  	[simem:s6], [sflag:s4] =	dma.local [hbm:s3], $0xF7A  }
0x26: {  	[smem:$0x3F98] =	sst s1;
	(tag) =	ssettag s2;
	_ =	strace s9  }
0x27: {  	s1 =	sld [smem:$0x3FA8]  }
0x28: {  	s2 =	sld [smem:$0x3FA9]  }
0x29: {  	s4 =	sld [smem:$0x3FAB]  }
0x2a: {  	p0 =	seq.s32 s5, $0x0;
	s5 =	sld [smem:$0x3FAC]  }
0x2b: {  	s6 =	sld [smem:$0x3FAD]  }
0x2c: {  	s7 =	sld [smem:$0x3FAE]  }
0x2d: {  	s3 =	simm.s32 $0x108;
	s8 =	sld [smem:$0x3FAF]  }
0x2e: {  	s3 =	simm.s32 @!p0 $0x1082;
	s9 =	sld [smem:$0x3FB0]  }
0x2f: {  	lr =	sadd.s32 s0, s3;
	s0 =	sld [smem:$0x3FA7]  }
0x30: {  	s3 =	sld [smem:$0x3FAA]  }
0x31: {  	[smem:$0x3FB3] =	sst s10  }
0x32: {  	s10 =	sld [smem:$0x3FB1];
	_ =	sdelay $0x3  }
0x33: {  	p0 =	seq.s32 s10, $0x1;
	s10 =	sld [smem:$0x3FB3];
	_ =	sdelay $0x3  }
0x34: {  	[smem:$0x3FB3] =	sst s10  }
0x35: {  	s10 =	sld [smem:$0x3FB2];
	_ =	sdelay $0x3  }
0x36: {  	p1 =	seq.s32 s10, $0x1;
	s10 =	sld [smem:$0x3FB3];
	_ =	sdelay $0x3  }
0x37: {  	[smem:$0x3FB3] =	sst s10  }
0x38: {  	s10 =	sld [smem:$0x3FB4]  }
0x39: {  	_ = 	snop;
	(pc) =	sbr.ind lr, $3  }
0x3a: {  	_ = 	snop  }
0x3b: {  	_ = 	snop  }
0x3c: {  	p2 =	seq.s32 s10, $0x1;
	s10 =	sld [smem:$0x3FB3]  }
0x3d: {  	_ =	shalt  }
0x3e: {  	_ =	shalt  }
0x3f: {  	_ =	shalt  }
0x40: {  	_ =	shalt  }
0x41: {  	_ =	shalt  }
0x42: {  	_ =	shalt  }
0x43: {  	_ =	shalt  }
0x44: {  	_ =	shalt  }
0x45: {  	_ =	shalt  }
0x46: {  	_ =	shalt  }
0x47: {  	_ =	shalt  }
0x48: {  	_ =	shalt  }
0x49: {  	_ =	shalt  }
0x4a: {  	_ =	shalt  }
0x4b: {  	_ =	shalt  }
0x4c: {  	_ =	shalt  }
0x4d: {  	_ =	shalt  }
0x4e: {  	_ =	shalt  }
0x4f: {  	_ =	shalt  }
0x50: {  	_ =	shalt  }
0x51: {  	_ =	shalt  }
0x52: {  	_ =	shalt  }
0x53: {  	_ =	shalt  }
0x54: {  	_ =	shalt  }
0x55: {  	_ =	shalt  }
0x56: {  	_ =	shalt  }
0x57: {  	_ =	shalt  }
0x58: {  	_ =	shalt  }
0x59: {  	_ =	shalt  }
0x5a: {  	_ =	shalt  }
0x5b: {  	_ =	shalt  }
0x5c: {  	_ =	shalt  }
0x5d: {  	_ =	shalt  }
0x5e: {  	_ =	shalt  }
0x5f: {  	_ =	shalt  }
0x60: {  	_ =	shalt  }
0x61: {  	_ =	shalt  }
0x62: {  	_ =	shalt  }
0x63: {  	_ =	shalt  }
0x64: {  	_ =	shalt  }
0x65: {  	_ =	shalt  }
0x66: {  	_ =	shalt  }
0x67: {  	_ =	shalt  }
0x68: {  	_ =	shalt  }
0x69: {  	_ =	shalt  }
0x6a: {  	_ =	shalt  }
0x6b: {  	_ =	shalt  }
0x6c: {  	_ =	shalt  }
0x6d: {  	_ =	shalt  }
0x6e: {  	_ =	shalt  }
0x6f: {  	_ =	shalt  }
0x70: {  	_ =	shalt  }
0x71: {  	_ =	shalt  }
0x72: {  	_ =	shalt  }
0x73: {  	_ =	shalt  }
0x74: {  	_ =	shalt  }
0x75: {  	_ =	shalt  }
0x76: {  	_ =	shalt  }
0x77: {  	_ =	shalt  }
0x78: {  	_ =	shalt  }
0x79: {  	_ =	shalt  }
0x7a: {  	_ =	shalt  }
0x7b: {  	_ =	shalt  }
0x7c: {  	_ =	shalt  }
0x7d: {  	_ =	shalt  }
0x7e: {  	_ =	shalt  }
0x7f: {  	_ =	shalt  }
0x80: {  	_ =	shalt  }
0x81: {  	_ =	shalt  }
0x82: {  	_ =	shalt  }
0x83: {  	_ =	shalt  }
0x84: {  	_ =	shalt  }
0x85: {  	_ =	shalt  }
0x86: {  	_ =	shalt  }
0x87: {  	_ =	shalt  }
.Lfunc_end0:
.L_simem_size_0:
called_computation_lowered:
.L_overlay_start_0:
0x88: {  	s2 =	sld [smem:$0x3FD9]  }
0x89: {  	s3 =	sld [smem:$0x3FFE];
	_ =	sdelay $0x1  }
0x8a: {  	s1 =	srdreg.scid  }
0x8b: {  	s0 =	sand.u32 $0x1, s1  }
0x8c: {  	s17 =	sshll.u32 s0, $0xA;
	s2 =	sadd.s32 s3, s2  }
0x8d: {  	s2 =	sadd.s32 s2, s17  }
0x8e: {  	[smem:$0x3FBF] =	sst s2  }
0x8f: {  	_ = 	snop  }
0x90: {  	s2 =	sld [smem:$0x3FC8]  }
0x91: {  	s18 =	sld [smem:$0x3FD0];
	(tm) =	ssettm $0x1  }
0x92: {  	s4 =	sld [smem:$0x3FFB];
	_ =	sdelay $0x3  }
0x93: {  	_ =	strace s4  }
0x94: {  	s4 =	sld [smem:$0x3FFC];
	_ =	sdelay $0x3  }
0x95: {  	_ =	strace s4  }
0x96: {  	s4 =	sld [smem:$0x3FFD];
	_ =	sdelay $0x3  }
0x97: {  	_ =	strace s4  }
0x98: {  	_ =	strace $0x8FFFFFFF  }
0x99: {  	s19 =	sld [smem:$0x3FDB];
	_ =	sdelay $0x1  }
0x9a: {  	s5 =	simm.s32 $_scs_section_size  }
0x9b: {  	s6 =	simm.s32 $_size__tile_overlayer_lowered;
	s7 =	simm.s32 $_tile_overlayer_lowered  }
0x9c: {  	s22 =	simm.s32 $0x1BFF;
	s21 =	sshll.u32 s7, $0x1;
	s4 =	sadd.s32 s5, s19  }
0x9d: {  	s8 =	simm.s32 $0x0;
	s20 =	sshll.u32 s6, $0x1;
	s6 =	sadd.s32 s21, s4  }
0x9e: {  	[timem:s8], [sflag:s22] =	dma.local [hbm:s6], s20  }
0x9f: {  	_ =	swait.ge [sflag:s22], s20  }
0xa0: {  	s5 =	ssub.s32 $0x0, s20;
	[sflag:s22] =	ssyncset.done $0x0  }
0xa1: {  	[sflag:s22] =	ssyncadd.s32 s5;
	_ =	sdelay $0x1  }
0xa2: {  	s23 =	simm.s32 $0x1B8B  }
0xa3: {  	_ =	swait.ge [sflag:s23], $0x1  }
0xa4: {  	[sflag:s23] =	ssyncset.done $0x0  }
0xa5: {  	s25 =	simm.s32 $0x1B8E;
	s24 =	sld [smem:$0x3FFE];
	[sflag:s23] =	ssyncadd.s32 $0xFFFFFFFF  }
0xa6: {  	s26 =	simm.s32 $execute0_lowered;
	[smem:$0x3FD2] =	sst s25  }
0xa7: {  	s6 =	sshll.u32 s26, $0x1;
	_ =	strace $0x80000046;
	[dreg:$0x1] =	wrdreg $0xFFFFFFFF  }
0xa8: {  	s28 =	simm.s32 $_size_execute0_lowered;
	s4 =	sadd.s32 s4, s6;
	[dreg:$0x0] =	wrdreg $0x0  }
0xa9: {  	s6 =	sshll.u32 s28, $0x1;
	[dreg:$0x2] =	wrdreg s4  }
0xaa: {  	[dreg:$0x3] =	wrdreg s6  }
0xab: {  	[dreg:$0x4] =	wrdreg $0xC0  }
0xac: {  	_ =	task [dreg:s8], $0x5FFFF  }
0xad: {  	[dreg:$0x1] =	wrdreg $0xFFFFFFFF  }
0xae: {  	[dreg:$0x0] =	wrdreg $0x60  }
0xaf: {  	[dreg:$0x2] =	wrdreg s2  }
0xb0: {  	[dreg:$0x3] =	wrdreg s18  }
0xb1: {  	[dreg:$0x4] =	wrdreg s24  }
0xb2: {  	[dreg:$0x5] =	wrdreg $0x0  }
0xb3: {  	[dreg:$0x6] =	wrdreg $0x9  }
0xb4: {  	_ =	task.clear_ibuf [dreg:s8], $0x7FFFF;
	_ =	strace $0x90000046  }
0xb5: {  	s29 =	simm.s32 $0x9;
	_ =	strace $0x80000048  }
0xb6: {  	_ =	swait.ge [sflag:s29], $0x1  }
0xb7: {  	[sflag:s29] =	ssyncadd.s32 $0xFFFFFFFF  }
0xb8: {  	_ =	strace $0x90000048  }
0xb9: {  	_ =	sfence  }
0xba: {  	s30 =	sld [smem:$0x0];
	_ =	sdelay $0x2  }
0xbb: {  	s31 =	sshll.u32 s1, $0xD;
	s1 =	sshrl.u32 s1, $0x2  }
0xbc: {  	s3 =	sand.u32 $0x4000, s31;
	s1 =	sadd.s32 s1, s30  }
0xbd: {  	s0 =	sor.u32 s3, s0;
	s1 =	sshll.u32 s1, $0x11  }
0xbe: {  	s0 =	sor.u32 s1, s0  }
0xbf: {  	s0 =	sadd.s32 $0x8F2B, s0  }
0xc0: {  	[sflag:s0] =	ssyncadd.remote.s32 $0x1  }
0xc1: {  	_ =	sfence.sel $0xFFFF  }
0xc2: {  	[dreg:$0x0] =	wrdreg $0xFFFFFFFF;
	(pc) =	sbr.abs _section_cstart, $3  }
0xc3: {  	[dreg:$0x1] =	wrdreg $0xFFFFFFFF  }
0xc4: {  	_ =	task.clear_ibuf [dreg:s8], $0x2FFFF;
	_ =	strace $0x9FFFFFFF  }
0xc5: {  	(tm) =	ssettm $0x7FFFFFFF  }
tec
execute0_lowered:
.L_overlay_start_1:
0x0: {  	(tag) =	ssettag $0x1  }
0x1: {  	s1 =	rddreg [dreg:$0x0]  }
0x2: {  	s2 =	rddreg [dreg:$0x1];
	s3 =	srdreg.scid  }
0x3: {  	s0 =	stileid.u32;
	s7 =	rddreg [dreg:$0x2]  }
0x4: {  	s4 =	rddreg [dreg:$0x3];
	s5 =	simm.s32 $0x0;
	s17 =	simm.s32 $0x1E000  }
0x5: {  	s19 =	simm.s32 $0x7;
	s20 =	simm.s32 $0x50;
	s10 =	smul.u32 $0x14000, s0  }
0x6: {  	s9 =	sand.u32 $0x1, s3;
	[smem:$0x7FF] =	sst s5;
	s16 =	smul.u32 $0x2710, s0  }
0x7: {  	s21 =	sadd.s32 $0x1400, s7;
	s29 =	sshll.u32 s0, $0x6;
	s6 =	smul.u32 $0x140000, s9  }
0x8: {  	s8 =	sshll.u32 s9, $0x4;
	_ =	strace $0x80000047;
	[dreg:$0x5] =	wrdreg s21  }
0x9: {  	s22 =	ssub.s32 $0x2, s9;
	s28 =	smul.u32 $0x27100, s9;
	s8 =	sor.u32 s0, s8  }
0xa: {  	s9 =	sor.u32 $0x1C07, s29;
	s21 =	simm.s32 $0x1;
	s12 =	smul.u32 $0x2710, s8  }
0xb: {  	s23 =	sshrl.u32 s22, $0x1;
	s18 =	sadd.s32 s10, s4;
	s14 =	smul.u32 $0x27100, s8  }
0xc: {  	s6 =	sadd.s32 s10, s6;
	s15 =	ssub.s32 s22, s23;
	s25 =	smul.u32 $0x138800, s8  }
0xd: {  	s18 =	sshrl.u32 s18, $0x3;
	s22 =	simm.s32 $0x6;
	s11 =	sshrl.u32 s6, $0x3  }
0xe: {  	s23 =	simm.s32 $0x3;
	s13 =	sadd.s32 s11, s7;
	s12 =	sshrl.u32 s12, $0x3  }
0xf: {  	s26 =	sadd.s32 s1, s14;
	s14 =	sadd.s32 s16, s28;
	s16 =	simm.s32 $0x14000  }
.Ltmp0:
0x10: {  	s24 =	sadd.s32 s2, s12;
	[dreg:$0x6] =	wrdreg s26;
	(pc) =	sbr.rel .LBB2_1-.Ltmp0, $4  }
0x11: {  	s12 =	sshrl.u32 s25, $0x3;
	s31 =	sshll.u32 s14, $0x4;
	s14 =	sadd.s32 $0x4E2A0, s14  }
0x12: {  	s25 =	simm.s32 $0x0;
	s8 =	sadd.s32 $0x9C40, s24;
	s30 =	sadd.s32 s1, s12  }
0x13: {  	s11 =	sadd.s32 $0xA118, s24;
	s12 =	sadd.s32 $0x3C00, s13;
	s13 =	smax.u32 s15, $0x1  }
0x14: {  	s15 =	sadd.s32 $0xA00, s31;
	s24 =	simm.s32 $0x5;
	s10 =	sadd.s32 $0x26C00, s30  }
.LBB2_4:
0x15: {  	[tilespmem:s16], [sflag:$0x1] =	stream.linear.gather [hbm4b:s10+s5], $0x2800, $0x38;
	[tilespmem:$0x1E140] =	vst v63  }
0x16: {  	_ = 	snop  }
0x17: {  	[tilespmem:s17], [sflag:$0x3] =	stream.linear.gather [hbm4b:s11+s5], $0x50, $0x38;
	[tilespmem:$0x1E140] =	vst v63  }
0x18: {  	_ =	swait.ge [sflag:s22], $0x2800  }
0x19: {  	[sflag:s22] =	ssyncset.done $0x0  }
0x1a: {  	[sflag:s22] =	ssyncadd.s32 $0xFFFFD800  }
0x1b: {  	_ =	swait.ge [sflag:s22], $0x2800  }
0x1c: {  	[sflag:s22] =	ssyncset.done $0x0  }
0x1d: {  	[sflag:s22] =	ssyncadd.s32 $0xFFFFD800  }
0x1e: {  	_ =	swait.ge [sflag:s21], $0x2800  }
0x1f: {  	[sflag:s21] =	ssyncset.done $0x0  }
0x20: {  	[sflag:s21] =	ssyncadd.s32 $0xFFFFD800  }
0x21: {  	_ =	swait.ge [sflag:s23], $0x50  }
0x22: {  	[sflag:s23] =	ssyncset.done $0x0  }
0x23: {  	[sflag:s23] =	ssyncadd.s32 $0xFFFFFFB0  }
0x24: {  	[spmem:s4] =	stream.indirect.scatter.add.f32 [tilespmem:s16], [sflag:$0x5], $0x80, s17, s20, $0xb8;
	[tilespmem:$0x1E140] =	vst v63  }
0x25: {  	_ =	swait.ge [sflag:s24], $0x2800  }
0x26: {  	s25 =	sadd.s32 $0x1, s25;
	[sflag:s24] =	ssyncset.done $0x0  }
0x27: {  	p0 =	sne.s32 s25, s13;
	[sflag:s24] =	ssyncadd.s32 $0xFFFFD800  }
.Ltmp1:
0x28: {  	[bflag:$0x0] =	sbarrier.arrive $0xFFFF;
	(pc) =	sbr.rel @!p0 .LBB2_5-.Ltmp1, $4  }
0x29: {  	[hbm:s12], [sflag:s9] =	dma.local [spmem:s18], $0x2800  }
0x2a: {  	_ =	swait.ge [sflag:s19], $0x2800  }
0x2b: {  	[sflag:s19] =	ssyncset.done $0x0  }
0x2c: {  	[sflag:s19] =	ssyncadd.s32 $0xFFFFD800  }
.LBB2_1:
0x2d: {  	s0 =	rddreg [dreg:$0x6]  }
0x2e: {  	[tilespmem:s16], [sflag:$0x1] =	stream.linear.gather [hbm4b:s0+s5], $0x5000, $0x38;
	[tilespmem:$0x1E140] =	vst v63  }
0x2f: {  	s31 =	rddreg [dreg:$0x5]  }
0x30: {  	[tilespmem:s17], [sflag:$0x3] =	stream.linear.gather [hbm4b:s8+s5], $0xA0, $0x38;
	[tilespmem:$0x1E140] =	vst v63  }
0x31: {  	[spmem:s18], [sflag:s9] =	dma.local [hbm:s31], $0x2800  }
0x32: {  	_ =	swait.ge [sflag:s19], $0x2800  }
0x33: {  	[sflag:s19] =	ssyncset.done $0x0  }
0x34: {  	s26 =	simm.s32 $0x0;
	[sflag:s19] =	ssyncadd.s32 $0xFFFFD800  }
0x35: {  	s28 =	smov.u32 s15;
	s29 =	smov.u32 s14;
	[bflag:$0x0] =	sbarrier.arrive $0xFFFF  }
.LBB2_2:
0x36: {  	s30 =	sand.u32 $0x1, s26  }
0x37: {  	s31 =	sadd.s32 $0x1, s30  }
0x38: {  	_ =	swait.ge [sflag:s31], $0x5000  }
0x39: {  	s3 =	smul.u32 $0x14000, s30;
	[sflag:s31] =	ssyncset.done $0x0  }
0x3a: {  	s7 =	sadd.s32 $0x3, s30;
	s0 =	smul.u32 $0x280, s30;
	[sflag:s31] =	ssyncadd.s32 $0xFFFFB000  }
0x3b: {  	p0 =	seq.s32 s26, $0x0;
	s3 =	sshrl.u32 s3, $0x2;
	_ =	swait.ge [sflag:s7], $0xA0  }
0x3c: {  	s0 =	sshrl.u32 s0, $0x2;
	s31 =	sadd.s32 $0x14000, s3;
	[sflag:s7] =	ssyncset.done $0x0  }
0x3d: {  	s6 =	sor.u32 $0x1E000, s0;
	[sflag:s7] =	ssyncadd.s32 $0xFFFFFF60;
	s7 =	sadd.s32 $0x5, s30  }
0x3e: {  	[spmem:s4] =	stream.indirect.scatter.add.f32 [tilespmem:s31], [sflag:s7], $0x80, s6, s20, $0xb8;
	[tilespmem:$0x1E140] =	vst v63  }
0x3f: {  	s3 =	sadd.s32 $0x16800, s3;
	s0 =	sadd.s32 $0x1E050, s0;
	s30 =	sxor.u32 @!p0 $0x1, s30  }
0x40: {  	[spmem:s4] =	stream.indirect.scatter.add.f32 [tilespmem:s3], [sflag:s7], $0x80, s0, s20, $0xb8;
	[tilespmem:$0x1E140] =	vst v63  }
0x41: {  	p1 =	seq.s32 @!p0 s26, $0x3D;
	s0 =	sadd.s32 @!p0 $0x5, s30  }
0x42: {  	p1 =	por p0, !p1;
	_ =	swait.ge @!p0 [sflag:s0], $0x2800  }
.Ltmp2:
0x43: {  	[sflag:s0] =	ssyncset.done @!p0 $0x0;
	(pc) =	sbr.rel @!p1 .LBB2_4-.Ltmp2, $4  }
0x44: {  	[sflag:s0] =	ssyncadd.s32 @!p0 $0xFFFFD800  }
0x45: {  	_ =	swait.ge @!p0 [sflag:s0], $0x2800  }
0x46: {  	[sflag:s0] =	ssyncset.done @!p0 $0x0  }
0x47: {  	[sflag:s0] =	ssyncadd.s32 @!p0 $0xFFFFD800  }
0x48: {  	s30 =	simm.s32 @p0 $0x1  }
0x49: {  	s0 =	smul.u32 $0x14000, s30  }
0x4a: {  	s3 =	sand.u32 $0x1FFFFF00, s28;
	s28 =	sadd.s32 $0xA00, s28;
	s26 =	sadd.s32 $0x1, s26  }
0x4b: {  	s6 =	sadd.s32 $0x1, s30;
	s7 =	smul.u32 $0x280, s30;
	s0 =	sshrl.u32 s0, $0x2  }
.Ltmp3:
0x4c: {  	s3 =	sadd.s32 s1, s3;
	s0 =	sadd.s32 $0x14000, s0;
	(pc) =	sbr.rel .LBB2_2-.Ltmp3, $4  }
0x4d: {  	[tilespmem:s0], [sflag:s6] =	stream.linear.gather [hbm4b:s3+s5], $0x5000, $0x38;
	[tilespmem:$0x1E140] =	vst v63  }
0x4e: {  	s31 =	sadd.s32 $0x3, s30;
	s6 =	sshrl.u32 s7, $0x2;
	s7 =	sshrl.u32 s29, $0x3  }
0x4f: {  	s29 =	sadd.s32 $0xA0, s29;
	s0 =	sor.u32 $0x1E000, s6;
	s3 =	sadd.s32 s2, s7  }
0x50: {  	[tilespmem:s0], [sflag:s31] =	stream.linear.gather [hbm4b:s3+s5], $0xA0, $0x38;
	[tilespmem:$0x1E140] =	vst v63  }
.LBB2_5:
0x51: {  	_ =	sfence.sel $0x180000  }
0x52: {  	[bflag:$0x0] =	sbarrier.arrive $0xFFFF  }
0x53: {  	_ =	strace $0x90000047  }
0x54: {  	s0 =	stileid.u32;
	[bflag:$0x2] =	sbarrier.arrive $0xFFFF  }
0x55: {  	p0 =	sne.s32 s0, $0x0;
	s0 =	rddreg [dreg:$0x4]  }
0x56: {  	s0 =	sadd.s32 @!p0 $0x100000, s0  }
0x57: {  	[sflag:s0] =	ssyncadd.tile.s32 @!p0 $0x1;
	_ =	shalt  }
.Lfunc_end2:
_tile_overlayer_lowered:
.L_overlay_start_2:
0x58: {  	(tag) =	ssettag $0x2  }
0x59: {  	s0 =	rddreg [dreg:$0x0];
	s2 =	stileid.u32  }
0x5a: {  	s1 =	rddreg [dreg:$0x1];
	p0 =	sne.s32 s2, $0x0  }
0x5b: {  	s3 =	rddreg [dreg:$0x2];
	[bflag:$0x3] =	sbarrier.arrive $0xFFFF;
	s2 =	simm.s32 @!p0 $0x1C07  }
0x5c: {  	[timem:s3], [sflag:s2] =	dma.local @!p0 [hbm:s0], s1  }
0x5d: {  	s0 =	simm.s32 @!p0 $0x7  }
0x5e: {  	_ =	swait.ge @!p0 [sflag:s0], s1  }
0x5f: {  	s1 =	ssub.s32 @!p0 $0x0, s1;
	[sflag:s0] =	ssyncset.done @!p0 $0x0  }
0x60: {  	[sflag:s0] =	ssyncadd.s32 @!p0 s1  }
0x61: {  	[bflag:$0x3] =	sbarrier.arrive $0xFFFF  }
0x62: {  	_ =	shalt  }

</sc_bundles>
